<compile_context>
chip_gen: v7x
topology: tpu7x:2x2x1
jax: 0.10.2.dev20260603
libtpu: 0.0.44.dev20260713+nightly
codegen_flags: <defaults>
</compile_context>

<pallas_src>
import functools

import jax
import jax.numpy as jnp
from jax import lax
from jax.experimental import pallas as pl
from jax.experimental.pallas import tpu as pltpu
from jax.experimental.pallas import tpu_sc as plsc

jax.config.update("jax_enable_x64", True)

_N_TOKENS = 1024
_L = 16
_CHUNK = 16384
_UNROLL = 8


def _sc_call(scal, flat):
    info = plsc.get_sparse_core_info()
    nc, ns = info.num_cores, info.num_subcores
    nw = nc * ns
    e = flat.shape[0]
    per_w = e // nw
    n_chunks = per_w // _CHUNK

    mesh = plsc.VectorSubcoreMesh(core_axis_name="c", subcore_axis_name="s")

    @functools.partial(
        pl.kernel,
        mesh=mesh,
        out_type=jax.ShapeDtypeStruct((e,), jnp.int32),
        scratch_types=[
            pltpu.VMEM((2, _CHUNK), jnp.float32),
            pltpu.VMEM((2, _CHUNK), jnp.int32),
            pltpu.VMEM((2 * _L,), jnp.float32),
            pltpu.SemaphoreType.DMA,
            pltpu.SemaphoreType.DMA,
            pltpu.SemaphoreType.DMA,
            pltpu.SemaphoreType.DMA,
        ],
    )
    def k(scal_hbm, x_hbm, out_hbm, in_v, out_v, scal_v,
          sem_i0, sem_i1, sem_o0, sem_o1):
        wid = lax.axis_index("s") * nc + lax.axis_index("c")
        base = wid * per_w
        pltpu.sync_copy(scal_hbm, scal_v)
        min_v = scal_v[pl.ds(0, _L)]
        dinv_v = scal_v[pl.ds(_L, _L)]
        sem_i = (sem_i0, sem_i1)
        sem_o = (sem_o0, sem_o1)

        def in_cp(g, b):
            return pltpu.make_async_copy(
                x_hbm.at[pl.ds(base + g * _CHUNK, _CHUNK)],
                in_v.at[b], sem_i[b])

        def out_cp(g, b):
            return pltpu.make_async_copy(
                out_v.at[b],
                out_hbm.at[pl.ds(base + g * _CHUNK, _CHUNK)], sem_o[b])

        in_cp(0, 0).start()

        def compute(b):
            def body(i, _):
                o = i * (_L * _UNROLL)
                for j in range(_UNROLL):
                    v = in_v[b, pl.ds(o + j * _L, _L)]
                    y = (v - min_v) * dinv_v
                    y = jnp.minimum(jnp.maximum(y, 0.0),
                                    jnp.float32(_N_TOKENS - 1))
                    out_v[b, pl.ds(o + j * _L, _L)] = y.astype(jnp.int32)
                return 0
            lax.fori_loop(0, _CHUNK // (_L * _UNROLL), body, 0)

        def step(gg, _):
            for b in range(2):
                g = 2 * gg + b

                @pl.when(g + 1 < n_chunks)
                def _():
                    in_cp(g + 1, 1 - b).start()

                in_cp(g, b).wait()

                @pl.when(g >= 2)
                def _():
                    out_cp(g - 2, b).wait()

                compute(b)
                out_cp(g, b).start()
            return 0

        lax.fori_loop(0, n_chunks // 2, step, 0)
        out_cp(n_chunks - 2, 0).wait()
        out_cp(n_chunks - 1, 1).wait()

    return k(scal, flat)


def kernel(input, min_val, delta):
    m, n = input.shape
    with jax.enable_x64(False):
        minf = min_val.astype(jnp.float32)
        dinvf = (jnp.float32(1.0) / delta).astype(jnp.float32)
        scal = jnp.concatenate([jnp.broadcast_to(minf, (_L,)),
                                jnp.broadcast_to(dinvf, (_L,))])
        out = _sc_call(scal, input.reshape(m * n))
    tok = lax.bitcast_convert_type(out.reshape(m, n), jnp.uint32)
    return lax.bitcast_convert_type(tok.astype(jnp.uint64), jnp.int64)

# --- scband reference (transcript-rebuilt; emitter-appended) ---
"""Pipeline reference for scband-naive-binning-55353538511195 (READ-ONLY COPY).

The authoritative reference and input builder live on the scoring server;
editing this copy changes nothing except your own understanding.
"""

import jax, jax.numpy as jnp
import numpy as np

jax.config.update("jax_enable_x64", True)

N_TOKENS = 1024
CDF_CUT = 0.001


def setup_inputs(seed: int = 0) -> dict:
    key = jax.random.key(seed)
    # replicate the __init__ calibration (histogram over train_data)
    train_data = np.array([-4.0, -3.5, -3.0, -2.5, -2.0, -1.5, -1.0, -0.5, 0.0,
                           0.5, 1.0, 1.5, 2.0, 2.5, 3.0, 3.5, 4.0], dtype=np.float64)
    histogram, bins = np.histogram(train_data, bins=100000)
    cdf = np.cumsum(histogram)
    cdf = cdf / cdf[-1]
    min_val = bins[np.argmin(np.abs(cdf - CDF_CUT))]
    max_val = bins[np.argmin(np.abs(cdf - (1 - CDF_CUT)))]
    delta = (max_val - min_val) / (N_TOKENS - 1)
    x = jax.random.normal(key, (4096, 8192), dtype=jnp.float32)
    return {"input": x, "min_val": jnp.float32(min_val), "delta": jnp.float32(delta)}


def reference(input, min_val, delta):
    # faithful translation of NaiveBinning.forward (return_logits=False path)
    x = input - min_val
    x = x / delta
    tok = x.astype(jnp.int64)  # torch .to(int64) truncates toward zero, same as astype
    tok = jnp.where(tok < 0, 0, tok)
    tok = jnp.where(tok >= N_TOKENS, N_TOKENS - 1, tok)
    return tok

if __name__ == "__main__":
    import jax
    _d = setup_inputs()
    print(jax.jit(kernel)(*tuple(_d.values())))

</pallas_src>

<mosaic_0001>
#map = affine_map<(d0, d1) -> (0)>
module attributes {stable_mosaic.version = 14 : i64} {
  func.func @k(%arg0: i32, %arg1: i32, %arg2: memref<32xf32, #tpu.memory_space<hbm>>, %arg3: memref<33554432xf32, #tpu.memory_space<hbm>>, %arg4: memref<33554432xi32, #tpu.memory_space<hbm>>, %arg5: memref<2x16384xf32, #tpu.memory_space<vmem>>, %arg6: memref<2x16384xi32, #tpu.memory_space<vmem>>, %arg7: memref<32xf32, #tpu.memory_space<vmem>>, %arg8: memref<!tpu.dma_semaphore, #tpu.memory_space<semaphore_mem>>, %arg9: memref<!tpu.dma_semaphore, #tpu.memory_space<semaphore_mem>>, %arg10: memref<!tpu.dma_semaphore, #tpu.memory_space<semaphore_mem>>, %arg11: memref<!tpu.dma_semaphore, #tpu.memory_space<semaphore_mem>>) attributes {dimension_semantics = [#tpu.dimension_semantics<core_parallel>, #tpu.dimension_semantics<subcore_parallel>], iteration_bounds = array<i64: 2, 16>, scalar_prefetch = 0 : i64, scratch_operands = 7 : i64, tpu.core_type = #tpu.core_type<sc_vector_subcore>, window_params = [{transform_indices = #map}, {transform_indices = #map}, {transform_indices = #map}]} {
    %mul3A = arith.constant 2 : i32
    %mul3A_0 = arith.muli %arg1, %mul3A : i32
    %add3A = arith.addi %mul3A_0, %arg0 : i32
    %mul3A_1 = arith.constant 1048576 : i32
    %mul3A_2 = arith.muli %add3A, %mul3A_1 : i32
    "tpu.region"() ({
      %run_scoped3A = tpu.sem_alloc : memref<!tpu.dma_semaphore, #tpu.memory_space<semaphore_mem>>
      tpu.enqueue_dma source(%arg2 : memref<32xf32, #tpu.memory_space<hbm>>) target(%arg7 : memref<32xf32, #tpu.memory_space<vmem>>) target_semaphore(%run_scoped3A : memref<!tpu.dma_semaphore, #tpu.memory_space<semaphore_mem>>)
      tpu.wait_dma2 semaphore(%run_scoped3A : memref<!tpu.dma_semaphore, #tpu.memory_space<semaphore_mem>>) src(%arg2 : memref<32xf32, #tpu.memory_space<hbm>>) dst(%arg7 : memref<32xf32, #tpu.memory_space<vmem>>)
      tpu.yield
    }) : () -> ()
    %get3A = arith.constant 0 : index
    %get3A_3 = tpu.vector_load %arg7[%get3A] {strides = array<i32>} : memref<32xf32, #tpu.memory_space<vmem>>, vector<16xf32>,
    %get3A_4 = vector.shape_cast %get3A_3 : vector<16xf32> to vector<16xf32>
    %get3A_5 = arith.constant 16 : index
    %get3A_6 = tpu.vector_load %arg7[%get3A_5] {strides = array<i32>} : memref<32xf32, #tpu.memory_space<vmem>>, vector<16xf32>,
    %get3A_7 = vector.shape_cast %get3A_6 : vector<16xf32> to vector<16xf32>
    %add3A_8 = arith.constant 0 : i32
    %add3A_9 = arith.addi %mul3A_2, %add3A_8 : i32
    %dma_start3A = arith.constant 0 : i32
    %dma_start3A_10 = arith.constant 0 : i32
    %dma_start3A_11 = tpu.memref_slice %arg5[%dma_start3A, %dma_start3A_10] : memref<2x16384xf32, #tpu.memory_space<vmem>> -> memref<1x16384xf32, #tpu.memory_space<vmem>>
    %dma_start3A_12 = tpu.memref_squeeze %dma_start3A_11 : memref<1x16384xf32, #tpu.memory_space<vmem>> -> memref<16384xf32, #tpu.memory_space<vmem>>
    %dma_start3A_13 = tpu.memref_slice %arg3[%add3A_9] : memref<33554432xf32, #tpu.memory_space<hbm>> -> memref<16384xf32, #tpu.memory_space<hbm>>
    %dma_start3A_14 = arith.constant 0 : i32
    %dma_start3A_15 = tpu.memref_slice %arg5[%dma_start3A, %dma_start3A_14] : memref<2x16384xf32, #tpu.memory_space<vmem>> -> memref<1x16384xf32, #tpu.memory_space<vmem>>
    %dma_start3A_16 = tpu.memref_squeeze %dma_start3A_15 : memref<1x16384xf32, #tpu.memory_space<vmem>> -> memref<16384xf32, #tpu.memory_space<vmem>>
    %dma_start3A_17 = tpu.memref_slice %arg3[%add3A_9] : memref<33554432xf32, #tpu.memory_space<hbm>> -> memref<16384xf32, #tpu.memory_space<hbm>>
    tpu.enqueue_dma source(%dma_start3A_17 : memref<16384xf32, #tpu.memory_space<hbm>>) target(%dma_start3A_16 : memref<16384xf32, #tpu.memory_space<vmem>>) target_semaphore(%arg8 : memref<!tpu.dma_semaphore, #tpu.memory_space<semaphore_mem>>)
    %scan3A = arith.constant 0 : i32
    %scan3A_18 = arith.constant 0 : i32
    %scan3A_19 = arith.constant 32 : i32
    %scan3A_20 = arith.addi %scan3A_18, %scan3A_19 : i32
    %scan3A_21 = arith.constant 1 : i32
    %scan3A_22 = scf.for %scan3A_45 = %scan3A_18 to %scan3A_20 step %scan3A_21 iter_args(%scan3A_46 = %scan3A) -> (i32)  : i32 {
      %mul3A_47 = arith.constant 2 : i32
      %mul3A_48 = arith.muli %mul3A_47, %scan3A_45 : i32
      %add3A_49 = arith.constant 0 : i32
      %add3A_50 = arith.addi %mul3A_48, %add3A_49 : i32
      %add3A_51 = arith.constant 1 : i32
      %add3A_52 = arith.addi %add3A_50, %add3A_51 : i32
      %lt3A = arith.constant 64 : i32
      %lt3A_53 = arith.cmpi slt, %add3A_52, %lt3A : i32
      %convert_element_type3A = arith.extui %lt3A_53 : i1 to i32
      %cond3A = arith.constant 0 : i32
      %cond3A_54 = arith.cmpi ne, %convert_element_type3A, %cond3A : i32
      scf.if %cond3A_54 {
        %add3A_138 = arith.constant 1 : i32
        %add3A_139 = arith.addi %add3A_50, %add3A_138 : i32
        %mul3A_140 = arith.constant 16384 : i32
        %mul3A_141 = arith.muli %add3A_139, %mul3A_140 : i32
        %add3A_142 = arith.addi %mul3A_2, %mul3A_141 : i32
        %dma_start3A_143 = arith.constant 1 : i32
        %dma_start3A_144 = arith.constant 0 : i32
        %dma_start3A_145 = tpu.memref_slice %arg5[%dma_start3A_143, %dma_start3A_144] : memref<2x16384xf32, #tpu.memory_space<vmem>> -> memref<1x16384xf32, #tpu.memory_space<vmem>>
        %dma_start3A_146 = tpu.memref_squeeze %dma_start3A_145 : memref<1x16384xf32, #tpu.memory_space<vmem>> -> memref<16384xf32, #tpu.memory_space<vmem>>
        %dma_start3A_147 = tpu.memref_slice %arg3[%add3A_142] : memref<33554432xf32, #tpu.memory_space<hbm>> -> memref<16384xf32, #tpu.memory_space<hbm>>
        %dma_start3A_148 = arith.constant 0 : i32
        %dma_start3A_149 = tpu.memref_slice %arg5[%dma_start3A_143, %dma_start3A_148] : memref<2x16384xf32, #tpu.memory_space<vmem>> -> memref<1x16384xf32, #tpu.memory_space<vmem>>
        %dma_start3A_150 = tpu.memref_squeeze %dma_start3A_149 : memref<1x16384xf32, #tpu.memory_space<vmem>> -> memref<16384xf32, #tpu.memory_space<vmem>>
        %dma_start3A_151 = tpu.memref_slice %arg3[%add3A_142] : memref<33554432xf32, #tpu.memory_space<hbm>> -> memref<16384xf32, #tpu.memory_space<hbm>>
        tpu.enqueue_dma source(%dma_start3A_151 : memref<16384xf32, #tpu.memory_space<hbm>>) target(%dma_start3A_150 : memref<16384xf32, #tpu.memory_space<vmem>>) target_semaphore(%arg9 : memref<!tpu.dma_semaphore, #tpu.memory_space<semaphore_mem>>)
      } else {
      }
      %mul3A_55 = arith.constant 16384 : i32
      %mul3A_56 = arith.muli %add3A_50, %mul3A_55 : i32
      %add3A_57 = arith.addi %mul3A_2, %mul3A_56 : i32
      %dma_wait3A_58 = arith.constant 0 : i32
      %dma_wait3A_59 = arith.constant 0 : i32
      %dma_wait3A_60 = tpu.memref_slice %arg5[%dma_wait3A_58, %dma_wait3A_59] : memref<2x16384xf32, #tpu.memory_space<vmem>> -> memref<1x16384xf32, #tpu.memory_space<vmem>>
      %dma_wait3A_61 = tpu.memref_squeeze %dma_wait3A_60 : memref<1x16384xf32, #tpu.memory_space<vmem>> -> memref<16384xf32, #tpu.memory_space<vmem>>
      %dma_wait3A_62 = tpu.memref_slice %arg3[%add3A_57] : memref<33554432xf32, #tpu.memory_space<hbm>> -> memref<16384xf32, #tpu.memory_space<hbm>>
      %dma_wait3A_63 = arith.constant 0 : i32
      %dma_wait3A_64 = tpu.memref_slice %arg5[%dma_wait3A_58, %dma_wait3A_63] : memref<2x16384xf32, #tpu.memory_space<vmem>> -> memref<1x16384xf32, #tpu.memory_space<vmem>>
      %dma_wait3A_65 = tpu.memref_squeeze %dma_wait3A_64 : memref<1x16384xf32, #tpu.memory_space<vmem>> -> memref<16384xf32, #tpu.memory_space<vmem>>
      %dma_wait3A_66 = tpu.memref_slice %arg3[%add3A_57] : memref<33554432xf32, #tpu.memory_space<hbm>> -> memref<16384xf32, #tpu.memory_space<hbm>>
      tpu.wait_dma2 semaphore(%arg8 : memref<!tpu.dma_semaphore, #tpu.memory_space<semaphore_mem>>) src(%dma_wait3A_66 : memref<16384xf32, #tpu.memory_space<hbm>>) dst(%dma_wait3A_65 : memref<16384xf32, #tpu.memory_space<vmem>>)
      %ge3A = arith.constant 2 : i32
      %ge3A_67 = arith.cmpi sge, %add3A_50, %ge3A : i32
      %convert_element_type3A_68 = arith.extui %ge3A_67 : i1 to i32
      %cond3A_69 = arith.constant 0 : i32
      %cond3A_70 = arith.cmpi ne, %convert_element_type3A_68, %cond3A_69 : i32
      scf.if %cond3A_70 {
        %sub3A = arith.constant 2 : i32
        %sub3A_138 = arith.subi %add3A_50, %sub3A : i32
        %mul3A_139 = arith.constant 16384 : i32
        %mul3A_140 = arith.muli %sub3A_138, %mul3A_139 : i32
        %add3A_141 = arith.addi %mul3A_2, %mul3A_140 : i32
        %dma_wait3A_142 = arith.constant 0 : i32
        %dma_wait3A_143 = arith.constant 0 : i32
        %dma_wait3A_144 = tpu.memref_slice %arg6[%dma_wait3A_142, %dma_wait3A_143] : memref<2x16384xi32, #tpu.memory_space<vmem>> -> memref<1x16384xi32, #tpu.memory_space<vmem>>
        %dma_wait3A_145 = tpu.memref_squeeze %dma_wait3A_144 : memref<1x16384xi32, #tpu.memory_space<vmem>> -> memref<16384xi32, #tpu.memory_space<vmem>>
        %dma_wait3A_146 = tpu.memref_slice %arg4[%add3A_141] : memref<33554432xi32, #tpu.memory_space<hbm>> -> memref<16384xi32, #tpu.memory_space<hbm>>
        %dma_wait3A_147 = tpu.memref_slice %arg4[%add3A_141] : memref<33554432xi32, #tpu.memory_space<hbm>> -> memref<16384xi32, #tpu.memory_space<hbm>>
        %dma_wait3A_148 = arith.constant 0 : i32
        %dma_wait3A_149 = tpu.memref_slice %arg6[%dma_wait3A_142, %dma_wait3A_148] : memref<2x16384xi32, #tpu.memory_space<vmem>> -> memref<1x16384xi32, #tpu.memory_space<vmem>>
        %dma_wait3A_150 = tpu.memref_squeeze %dma_wait3A_149 : memref<1x16384xi32, #tpu.memory_space<vmem>> -> memref<16384xi32, #tpu.memory_space<vmem>>
        tpu.wait_dma2 semaphore(%arg10 : memref<!tpu.dma_semaphore, #tpu.memory_space<semaphore_mem>>) src(%dma_wait3A_150 : memref<16384xi32, #tpu.memory_space<vmem>>) dst(%dma_wait3A_147 : memref<16384xi32, #tpu.memory_space<hbm>>)
      } else {
      }
      %scan3A_71 = arith.constant 0 : i32
      %scan3A_72 = arith.constant 0 : i32
      %scan3A_73 = arith.constant 128 : i32
      %scan3A_74 = arith.addi %scan3A_72, %scan3A_73 : i32
      %scan3A_75 = arith.constant 1 : i32
      %scan3A_76 = scf.for %scan3A_138 = %scan3A_72 to %scan3A_74 step %scan3A_75 iter_args(%scan3A_139 = %scan3A_71) -> (i32)  : i32 {
        %mul3A_140 = arith.constant 128 : i32
        %mul3A_141 = arith.muli %scan3A_138, %mul3A_140 : i32
        %add3A_142 = arith.constant 0 : i32
        %add3A_143 = arith.addi %mul3A_141, %add3A_142 : i32
        %get3A_144 = arith.constant 0 : i32
        %get3A_145 = arith.index_cast %get3A_144 : i32 to index
        %get3A_146 = arith.index_cast %add3A_143 : i32 to index
        %get3A_147 = tpu.vector_load %arg5[%get3A_145, %get3A_146] {strides = array<i32>} : memref<2x16384xf32, #tpu.memory_space<vmem>>, vector<1x16xf32>,
        %get3A_148 = vector.shape_cast %get3A_147 : vector<1x16xf32> to vector<16xf32>
        %sub3A = arith.subf %get3A_148, %get3A_4 : vector<16xf32>
        %mul3A_149 = arith.mulf %sub3A, %get3A_7 : vector<16xf32>
        %max3A = arith.constant 0.000000e+00 : f32
        %max3A_150 = vector.broadcast %max3A : f32 to vector<16xf32>
        %max3A_151 = arith.maximumf %mul3A_149, %max3A_150 : vector<16xf32>
        %min3A = arith.constant 1.023000e+03 : f32
        %min3A_152 = vector.broadcast %min3A : f32 to vector<16xf32>
        %min3A_153 = arith.minimumf %max3A_151, %min3A_152 : vector<16xf32>
        %convert_element_type3A_154 = arith.fptosi %min3A_153 : vector<16xf32> to vector<16xi32>
        %add3A_155 = arith.constant 0 : i32
        %add3A_156 = arith.addi %mul3A_141, %add3A_155 : i32
        %swap3A = arith.constant 0 : i32
        %swap3A_157 = arith.index_cast %swap3A : i32 to index
        %swap3A_158 = arith.index_cast %add3A_156 : i32 to index
        %swap3A_159 = tpu.vector_load %arg6[%swap3A_157, %swap3A_158] {strides = array<i32>} : memref<2x16384xi32, #tpu.memory_space<vmem>>, vector<1x16xi32>,
        %swap3A_160 = vector.shape_cast %swap3A_159 : vector<1x16xi32> to vector<16xi32>
        %swap3A_161 = vector.shape_cast %convert_element_type3A_154 : vector<16xi32> to vector<1x16xi32>
        tpu.vector_store %arg6[%swap3A_157, %swap3A_158], %swap3A_161 {strides = array<i32>} : memref<2x16384xi32, #tpu.memory_space<vmem>>, vector<1x16xi32>,
        %add3A_162 = arith.constant 16 : i32
        %add3A_163 = arith.addi %mul3A_141, %add3A_162 : i32
        %get3A_164 = arith.constant 0 : i32
        %get3A_165 = arith.index_cast %get3A_164 : i32 to index
        %get3A_166 = arith.index_cast %add3A_163 : i32 to index
        %get3A_167 = tpu.vector_load %arg5[%get3A_165, %get3A_166] {strides = array<i32>} : memref<2x16384xf32, #tpu.memory_space<vmem>>, vector<1x16xf32>,
        %get3A_168 = vector.shape_cast %get3A_167 : vector<1x16xf32> to vector<16xf32>
        %sub3A_169 = arith.subf %get3A_168, %get3A_4 : vector<16xf32>
        %mul3A_170 = arith.mulf %sub3A_169, %get3A_7 : vector<16xf32>
        %max3A_171 = arith.constant 0.000000e+00 : f32
        %max3A_172 = vector.broadcast %max3A_171 : f32 to vector<16xf32>
        %max3A_173 = arith.maximumf %mul3A_170, %max3A_172 : vector<16xf32>
        %min3A_174 = arith.constant 1.023000e+03 : f32
        %min3A_175 = vector.broadcast %min3A_174 : f32 to vector<16xf32>
        %min3A_176 = arith.minimumf %max3A_173, %min3A_175 : vector<16xf32>
        %convert_element_type3A_177 = arith.fptosi %min3A_176 : vector<16xf32> to vector<16xi32>
        %add3A_178 = arith.constant 16 : i32
        %add3A_179 = arith.addi %mul3A_141, %add3A_178 : i32
        %swap3A_180 = arith.constant 0 : i32
        %swap3A_181 = arith.index_cast %swap3A_180 : i32 to index
        %swap3A_182 = arith.index_cast %add3A_179 : i32 to index
        %swap3A_183 = tpu.vector_load %arg6[%swap3A_181, %swap3A_182] {strides = array<i32>} : memref<2x16384xi32, #tpu.memory_space<vmem>>, vector<1x16xi32>,
        %swap3A_184 = vector.shape_cast %swap3A_183 : vector<1x16xi32> to vector<16xi32>
        %swap3A_185 = vector.shape_cast %convert_element_type3A_177 : vector<16xi32> to vector<1x16xi32>
        tpu.vector_store %arg6[%swap3A_181, %swap3A_182], %swap3A_185 {strides = array<i32>} : memref<2x16384xi32, #tpu.memory_space<vmem>>, vector<1x16xi32>,
        %add3A_186 = arith.constant 32 : i32
        %add3A_187 = arith.addi %mul3A_141, %add3A_186 : i32
        %get3A_188 = arith.constant 0 : i32
        %get3A_189 = arith.index_cast %get3A_188 : i32 to index
        %get3A_190 = arith.index_cast %add3A_187 : i32 to index
        %get3A_191 = tpu.vector_load %arg5[%get3A_189, %get3A_190] {strides = array<i32>} : memref<2x16384xf32, #tpu.memory_space<vmem>>, vector<1x16xf32>,
        %get3A_192 = vector.shape_cast %get3A_191 : vector<1x16xf32> to vector<16xf32>
        %sub3A_193 = arith.subf %get3A_192, %get3A_4 : vector<16xf32>
        %mul3A_194 = arith.mulf %sub3A_193, %get3A_7 : vector<16xf32>
        %max3A_195 = arith.constant 0.000000e+00 : f32
        %max3A_196 = vector.broadcast %max3A_195 : f32 to vector<16xf32>
        %max3A_197 = arith.maximumf %mul3A_194, %max3A_196 : vector<16xf32>
        %min3A_198 = arith.constant 1.023000e+03 : f32
        %min3A_199 = vector.broadcast %min3A_198 : f32 to vector<16xf32>
        %min3A_200 = arith.minimumf %max3A_197, %min3A_199 : vector<16xf32>
        %convert_element_type3A_201 = arith.fptosi %min3A_200 : vector<16xf32> to vector<16xi32>
        %add3A_202 = arith.constant 32 : i32
        %add3A_203 = arith.addi %mul3A_141, %add3A_202 : i32
        %swap3A_204 = arith.constant 0 : i32
        %swap3A_205 = arith.index_cast %swap3A_204 : i32 to index
        %swap3A_206 = arith.index_cast %add3A_203 : i32 to index
        %swap3A_207 = tpu.vector_load %arg6[%swap3A_205, %swap3A_206] {strides = array<i32>} : memref<2x16384xi32, #tpu.memory_space<vmem>>, vector<1x16xi32>,
        %swap3A_208 = vector.shape_cast %swap3A_207 : vector<1x16xi32> to vector<16xi32>
        %swap3A_209 = vector.shape_cast %convert_element_type3A_201 : vector<16xi32> to vector<1x16xi32>
        tpu.vector_store %arg6[%swap3A_205, %swap3A_206], %swap3A_209 {strides = array<i32>} : memref<2x16384xi32, #tpu.memory_space<vmem>>, vector<1x16xi32>,
        %add3A_210 = arith.constant 48 : i32
        %add3A_211 = arith.addi %mul3A_141, %add3A_210 : i32
        %get3A_212 = arith.constant 0 : i32
        %get3A_213 = arith.index_cast %get3A_212 : i32 to index
        %get3A_214 = arith.index_cast %add3A_211 : i32 to index
        %get3A_215 = tpu.vector_load %arg5[%get3A_213, %get3A_214] {strides = array<i32>} : memref<2x16384xf32, #tpu.memory_space<vmem>>, vector<1x16xf32>,
        %get3A_216 = vector.shape_cast %get3A_215 : vector<1x16xf32> to vector<16xf32>
        %sub3A_217 = arith.subf %get3A_216, %get3A_4 : vector<16xf32>
        %mul3A_218 = arith.mulf %sub3A_217, %get3A_7 : vector<16xf32>
        %max3A_219 = arith.constant 0.000000e+00 : f32
        %max3A_220 = vector.broadcast %max3A_219 : f32 to vector<16xf32>
        %max3A_221 = arith.maximumf %mul3A_218, %max3A_220 : vector<16xf32>
        %min3A_222 = arith.constant 1.023000e+03 : f32
        %min3A_223 = vector.broadcast %min3A_222 : f32 to vector<16xf32>
        %min3A_224 = arith.minimumf %max3A_221, %min3A_223 : vector<16xf32>
        %convert_element_type3A_225 = arith.fptosi %min3A_224 : vector<16xf32> to vector<16xi32>
        %add3A_226 = arith.constant 48 : i32
        %add3A_227 = arith.addi %mul3A_141, %add3A_226 : i32
        %swap3A_228 = arith.constant 0 : i32
        %swap3A_229 = arith.index_cast %swap3A_228 : i32 to index
        %swap3A_230 = arith.index_cast %add3A_227 : i32 to index
        %swap3A_231 = tpu.vector_load %arg6[%swap3A_229, %swap3A_230] {strides = array<i32>} : memref<2x16384xi32, #tpu.memory_space<vmem>>, vector<1x16xi32>,
        %swap3A_232 = vector.shape_cast %swap3A_231 : vector<1x16xi32> to vector<16xi32>
        %swap3A_233 = vector.shape_cast %convert_element_type3A_225 : vector<16xi32> to vector<1x16xi32>
        tpu.vector_store %arg6[%swap3A_229, %swap3A_230], %swap3A_233 {strides = array<i32>} : memref<2x16384xi32, #tpu.memory_space<vmem>>, vector<1x16xi32>,
        %add3A_234 = arith.constant 64 : i32
        %add3A_235 = arith.addi %mul3A_141, %add3A_234 : i32
        %get3A_236 = arith.constant 0 : i32
        %get3A_237 = arith.index_cast %get3A_236 : i32 to index
        %get3A_238 = arith.index_cast %add3A_235 : i32 to index
        %get3A_239 = tpu.vector_load %arg5[%get3A_237, %get3A_238] {strides = array<i32>} : memref<2x16384xf32, #tpu.memory_space<vmem>>, vector<1x16xf32>,
        %get3A_240 = vector.shape_cast %get3A_239 : vector<1x16xf32> to vector<16xf32>
        %sub3A_241 = arith.subf %get3A_240, %get3A_4 : vector<16xf32>
        %mul3A_242 = arith.mulf %sub3A_241, %get3A_7 : vector<16xf32>
        %max3A_243 = arith.constant 0.000000e+00 : f32
        %max3A_244 = vector.broadcast %max3A_243 : f32 to vector<16xf32>
        %max3A_245 = arith.maximumf %mul3A_242, %max3A_244 : vector<16xf32>
        %min3A_246 = arith.constant 1.023000e+03 : f32
        %min3A_247 = vector.broadcast %min3A_246 : f32 to vector<16xf32>
        %min3A_248 = arith.minimumf %max3A_245, %min3A_247 : vector<16xf32>
        %convert_element_type3A_249 = arith.fptosi %min3A_248 : vector<16xf32> to vector<16xi32>
        %add3A_250 = arith.constant 64 : i32
        %add3A_251 = arith.addi %mul3A_141, %add3A_250 : i32
        %swap3A_252 = arith.constant 0 : i32
        %swap3A_253 = arith.index_cast %swap3A_252 : i32 to index
        %swap3A_254 = arith.index_cast %add3A_251 : i32 to index
        %swap3A_255 = tpu.vector_load %arg6[%swap3A_253, %swap3A_254] {strides = array<i32>} : memref<2x16384xi32, #tpu.memory_space<vmem>>, vector<1x16xi32>,
        %swap3A_256 = vector.shape_cast %swap3A_255 : vector<1x16xi32> to vector<16xi32>
        %swap3A_257 = vector.shape_cast %convert_element_type3A_249 : vector<16xi32> to vector<1x16xi32>
        tpu.vector_store %arg6[%swap3A_253, %swap3A_254], %swap3A_257 {strides = array<i32>} : memref<2x16384xi32, #tpu.memory_space<vmem>>, vector<1x16xi32>,
        %add3A_258 = arith.constant 80 : i32
        %add3A_259 = arith.addi %mul3A_141, %add3A_258 : i32
        %get3A_260 = arith.constant 0 : i32
        %get3A_261 = arith.index_cast %get3A_260 : i32 to index
        %get3A_262 = arith.index_cast %add3A_259 : i32 to index
        %get3A_263 = tpu.vector_load %arg5[%get3A_261, %get3A_262] {strides = array<i32>} : memref<2x16384xf32, #tpu.memory_space<vmem>>, vector<1x16xf32>,
        %get3A_264 = vector.shape_cast %get3A_263 : vector<1x16xf32> to vector<16xf32>
        %sub3A_265 = arith.subf %get3A_264, %get3A_4 : vector<16xf32>
        %mul3A_266 = arith.mulf %sub3A_265, %get3A_7 : vector<16xf32>
        %max3A_267 = arith.constant 0.000000e+00 : f32
        %max3A_268 = vector.broadcast %max3A_267 : f32 to vector<16xf32>
        %max3A_269 = arith.maximumf %mul3A_266, %max3A_268 : vector<16xf32>
        %min3A_270 = arith.constant 1.023000e+03 : f32
        %min3A_271 = vector.broadcast %min3A_270 : f32 to vector<16xf32>
        %min3A_272 = arith.minimumf %max3A_269, %min3A_271 : vector<16xf32>
        %convert_element_type3A_273 = arith.fptosi %min3A_272 : vector<16xf32> to vector<16xi32>
        %add3A_274 = arith.constant 80 : i32
        %add3A_275 = arith.addi %mul3A_141, %add3A_274 : i32
        %swap3A_276 = arith.constant 0 : i32
        %swap3A_277 = arith.index_cast %swap3A_276 : i32 to index
        %swap3A_278 = arith.index_cast %add3A_275 : i32 to index
        %swap3A_279 = tpu.vector_load %arg6[%swap3A_277, %swap3A_278] {strides = array<i32>} : memref<2x16384xi32, #tpu.memory_space<vmem>>, vector<1x16xi32>,
        %swap3A_280 = vector.shape_cast %swap3A_279 : vector<1x16xi32> to vector<16xi32>
        %swap3A_281 = vector.shape_cast %convert_element_type3A_273 : vector<16xi32> to vector<1x16xi32>
        tpu.vector_store %arg6[%swap3A_277, %swap3A_278], %swap3A_281 {strides = array<i32>} : memref<2x16384xi32, #tpu.memory_space<vmem>>, vector<1x16xi32>,
        %add3A_282 = arith.constant 96 : i32
        %add3A_283 = arith.addi %mul3A_141, %add3A_282 : i32
        %get3A_284 = arith.constant 0 : i32
        %get3A_285 = arith.index_cast %get3A_284 : i32 to index
        %get3A_286 = arith.index_cast %add3A_283 : i32 to index
        %get3A_287 = tpu.vector_load %arg5[%get3A_285, %get3A_286] {strides = array<i32>} : memref<2x16384xf32, #tpu.memory_space<vmem>>, vector<1x16xf32>,
        %get3A_288 = vector.shape_cast %get3A_287 : vector<1x16xf32> to vector<16xf32>
        %sub3A_289 = arith.subf %get3A_288, %get3A_4 : vector<16xf32>
        %mul3A_290 = arith.mulf %sub3A_289, %get3A_7 : vector<16xf32>
        %max3A_291 = arith.constant 0.000000e+00 : f32
        %max3A_292 = vector.broadcast %max3A_291 : f32 to vector<16xf32>
        %max3A_293 = arith.maximumf %mul3A_290, %max3A_292 : vector<16xf32>
        %min3A_294 = arith.constant 1.023000e+03 : f32
        %min3A_295 = vector.broadcast %min3A_294 : f32 to vector<16xf32>
        %min3A_296 = arith.minimumf %max3A_293, %min3A_295 : vector<16xf32>
        %convert_element_type3A_297 = arith.fptosi %min3A_296 : vector<16xf32> to vector<16xi32>
        %add3A_298 = arith.constant 96 : i32
        %add3A_299 = arith.addi %mul3A_141, %add3A_298 : i32
        %swap3A_300 = arith.constant 0 : i32
        %swap3A_301 = arith.index_cast %swap3A_300 : i32 to index
        %swap3A_302 = arith.index_cast %add3A_299 : i32 to index
        %swap3A_303 = tpu.vector_load %arg6[%swap3A_301, %swap3A_302] {strides = array<i32>} : memref<2x16384xi32, #tpu.memory_space<vmem>>, vector<1x16xi32>,
        %swap3A_304 = vector.shape_cast %swap3A_303 : vector<1x16xi32> to vector<16xi32>
        %swap3A_305 = vector.shape_cast %convert_element_type3A_297 : vector<16xi32> to vector<1x16xi32>
        tpu.vector_store %arg6[%swap3A_301, %swap3A_302], %swap3A_305 {strides = array<i32>} : memref<2x16384xi32, #tpu.memory_space<vmem>>, vector<1x16xi32>,
        %add3A_306 = arith.constant 112 : i32
        %add3A_307 = arith.addi %mul3A_141, %add3A_306 : i32
        %get3A_308 = arith.constant 0 : i32
        %get3A_309 = arith.index_cast %get3A_308 : i32 to index
        %get3A_310 = arith.index_cast %add3A_307 : i32 to index
        %get3A_311 = tpu.vector_load %arg5[%get3A_309, %get3A_310] {strides = array<i32>} : memref<2x16384xf32, #tpu.memory_space<vmem>>, vector<1x16xf32>,
        %get3A_312 = vector.shape_cast %get3A_311 : vector<1x16xf32> to vector<16xf32>
        %sub3A_313 = arith.subf %get3A_312, %get3A_4 : vector<16xf32>
        %mul3A_314 = arith.mulf %sub3A_313, %get3A_7 : vector<16xf32>
        %max3A_315 = arith.constant 0.000000e+00 : f32
        %max3A_316 = vector.broadcast %max3A_315 : f32 to vector<16xf32>
        %max3A_317 = arith.maximumf %mul3A_314, %max3A_316 : vector<16xf32>
        %min3A_318 = arith.constant 1.023000e+03 : f32
        %min3A_319 = vector.broadcast %min3A_318 : f32 to vector<16xf32>
        %min3A_320 = arith.minimumf %max3A_317, %min3A_319 : vector<16xf32>
        %convert_element_type3A_321 = arith.fptosi %min3A_320 : vector<16xf32> to vector<16xi32>
        %add3A_322 = arith.constant 112 : i32
        %add3A_323 = arith.addi %mul3A_141, %add3A_322 : i32
        %swap3A_324 = arith.constant 0 : i32
        %swap3A_325 = arith.index_cast %swap3A_324 : i32 to index
        %swap3A_326 = arith.index_cast %add3A_323 : i32 to index
        %swap3A_327 = tpu.vector_load %arg6[%swap3A_325, %swap3A_326] {strides = array<i32>} : memref<2x16384xi32, #tpu.memory_space<vmem>>, vector<1x16xi32>,
        %swap3A_328 = vector.shape_cast %swap3A_327 : vector<1x16xi32> to vector<16xi32>
        %swap3A_329 = vector.shape_cast %convert_element_type3A_321 : vector<16xi32> to vector<1x16xi32>
        tpu.vector_store %arg6[%swap3A_325, %swap3A_326], %swap3A_329 {strides = array<i32>} : memref<2x16384xi32, #tpu.memory_space<vmem>>, vector<1x16xi32>,
        %scan3A_330 = arith.constant 0 : i32
        scf.yield %scan3A_330 : i32
      }
      %scan3A_77 = arith.constant 128 : i32
      %mul3A_78 = arith.constant 16384 : i32
      %mul3A_79 = arith.muli %add3A_50, %mul3A_78 : i32
      %add3A_80 = arith.addi %mul3A_2, %mul3A_79 : i32
      %dma_start3A_81 = arith.constant 0 : i32
      %dma_start3A_82 = arith.constant 0 : i32
      %dma_start3A_83 = tpu.memref_slice %arg6[%dma_start3A_81, %dma_start3A_82] : memref<2x16384xi32, #tpu.memory_space<vmem>> -> memref<1x16384xi32, #tpu.memory_space<vmem>>
      %dma_start3A_84 = tpu.memref_squeeze %dma_start3A_83 : memref<1x16384xi32, #tpu.memory_space<vmem>> -> memref<16384xi32, #tpu.memory_space<vmem>>
      %dma_start3A_85 = tpu.memref_slice %arg4[%add3A_80] : memref<33554432xi32, #tpu.memory_space<hbm>> -> memref<16384xi32, #tpu.memory_space<hbm>>
      %dma_start3A_86 = tpu.memref_slice %arg4[%add3A_80] : memref<33554432xi32, #tpu.memory_space<hbm>> -> memref<16384xi32, #tpu.memory_space<hbm>>
      %dma_start3A_87 = arith.constant 0 : i32
      %dma_start3A_88 = tpu.memref_slice %arg6[%dma_start3A_81, %dma_start3A_87] : memref<2x16384xi32, #tpu.memory_space<vmem>> -> memref<1x16384xi32, #tpu.memory_space<vmem>>
      %dma_start3A_89 = tpu.memref_squeeze %dma_start3A_88 : memref<1x16384xi32, #tpu.memory_space<vmem>> -> memref<16384xi32, #tpu.memory_space<vmem>>
      tpu.enqueue_dma source(%dma_start3A_89 : memref<16384xi32, #tpu.memory_space<vmem>>) target(%dma_start3A_86 : memref<16384xi32, #tpu.memory_space<hbm>>) target_semaphore(%arg10 : memref<!tpu.dma_semaphore, #tpu.memory_space<semaphore_mem>>)
      %mul3A_90 = arith.constant 2 : i32
      %mul3A_91 = arith.muli %mul3A_90, %scan3A_45 : i32
      %add3A_92 = arith.constant 1 : i32
      %add3A_93 = arith.addi %mul3A_91, %add3A_92 : i32
      %add3A_94 = arith.constant 1 : i32
      %add3A_95 = arith.addi %add3A_93, %add3A_94 : i32
      %lt3A_96 = arith.constant 64 : i32
      %lt3A_97 = arith.cmpi slt, %add3A_95, %lt3A_96 : i32
      %convert_element_type3A_98 = arith.extui %lt3A_97 : i1 to i32
      %cond3A_99 = arith.constant 0 : i32
      %cond3A_100 = arith.cmpi ne, %convert_element_type3A_98, %cond3A_99 : i32
      scf.if %cond3A_100 {
        %add3A_138 = arith.constant 1 : i32
        %add3A_139 = arith.addi %add3A_93, %add3A_138 : i32
        %mul3A_140 = arith.constant 16384 : i32
        %mul3A_141 = arith.muli %add3A_139, %mul3A_140 : i32
        %add3A_142 = arith.addi %mul3A_2, %mul3A_141 : i32
        %dma_start3A_143 = arith.constant 0 : i32
        %dma_start3A_144 = arith.constant 0 : i32
        %dma_start3A_145 = tpu.memref_slice %arg5[%dma_start3A_143, %dma_start3A_144] : memref<2x16384xf32, #tpu.memory_space<vmem>> -> memref<1x16384xf32, #tpu.memory_space<vmem>>
        %dma_start3A_146 = tpu.memref_squeeze %dma_start3A_145 : memref<1x16384xf32, #tpu.memory_space<vmem>> -> memref<16384xf32, #tpu.memory_space<vmem>>
        %dma_start3A_147 = tpu.memref_slice %arg3[%add3A_142] : memref<33554432xf32, #tpu.memory_space<hbm>> -> memref<16384xf32, #tpu.memory_space<hbm>>
        %dma_start3A_148 = arith.constant 0 : i32
        %dma_start3A_149 = tpu.memref_slice %arg5[%dma_start3A_143, %dma_start3A_148] : memref<2x16384xf32, #tpu.memory_space<vmem>> -> memref<1x16384xf32, #tpu.memory_space<vmem>>
        %dma_start3A_150 = tpu.memref_squeeze %dma_start3A_149 : memref<1x16384xf32, #tpu.memory_space<vmem>> -> memref<16384xf32, #tpu.memory_space<vmem>>
        %dma_start3A_151 = tpu.memref_slice %arg3[%add3A_142] : memref<33554432xf32, #tpu.memory_space<hbm>> -> memref<16384xf32, #tpu.memory_space<hbm>>
        tpu.enqueue_dma source(%dma_start3A_151 : memref<16384xf32, #tpu.memory_space<hbm>>) target(%dma_start3A_150 : memref<16384xf32, #tpu.memory_space<vmem>>) target_semaphore(%arg8 : memref<!tpu.dma_semaphore, #tpu.memory_space<semaphore_mem>>)
      } else {
      }
      %mul3A_101 = arith.constant 16384 : i32
      %mul3A_102 = arith.muli %add3A_93, %mul3A_101 : i32
      %add3A_103 = arith.addi %mul3A_2, %mul3A_102 : i32
      %dma_wait3A_104 = arith.constant 1 : i32
      %dma_wait3A_105 = arith.constant 0 : i32
      %dma_wait3A_106 = tpu.memref_slice %arg5[%dma_wait3A_104, %dma_wait3A_105] : memref<2x16384xf32, #tpu.memory_space<vmem>> -> memref<1x16384xf32, #tpu.memory_space<vmem>>
      %dma_wait3A_107 = tpu.memref_squeeze %dma_wait3A_106 : memref<1x16384xf32, #tpu.memory_space<vmem>> -> memref<16384xf32, #tpu.memory_space<vmem>>
      %dma_wait3A_108 = tpu.memref_slice %arg3[%add3A_103] : memref<33554432xf32, #tpu.memory_space<hbm>> -> memref<16384xf32, #tpu.memory_space<hbm>>
      %dma_wait3A_109 = arith.constant 0 : i32
      %dma_wait3A_110 = tpu.memref_slice %arg5[%dma_wait3A_104, %dma_wait3A_109] : memref<2x16384xf32, #tpu.memory_space<vmem>> -> memref<1x16384xf32, #tpu.memory_space<vmem>>
      %dma_wait3A_111 = tpu.memref_squeeze %dma_wait3A_110 : memref<1x16384xf32, #tpu.memory_space<vmem>> -> memref<16384xf32, #tpu.memory_space<vmem>>
      %dma_wait3A_112 = tpu.memref_slice %arg3[%add3A_103] : memref<33554432xf32, #tpu.memory_space<hbm>> -> memref<16384xf32, #tpu.memory_space<hbm>>
      tpu.wait_dma2 semaphore(%arg9 : memref<!tpu.dma_semaphore, #tpu.memory_space<semaphore_mem>>) src(%dma_wait3A_112 : memref<16384xf32, #tpu.memory_space<hbm>>) dst(%dma_wait3A_111 : memref<16384xf32, #tpu.memory_space<vmem>>)
      %ge3A_113 = arith.constant 2 : i32
      %ge3A_114 = arith.cmpi sge, %add3A_93, %ge3A_113 : i32
      %convert_element_type3A_115 = arith.extui %ge3A_114 : i1 to i32
      %cond3A_116 = arith.constant 0 : i32
      %cond3A_117 = arith.cmpi ne, %convert_element_type3A_115, %cond3A_116 : i32
      scf.if %cond3A_117 {
        %sub3A = arith.constant 2 : i32
        %sub3A_138 = arith.subi %add3A_93, %sub3A : i32
        %mul3A_139 = arith.constant 16384 : i32
        %mul3A_140 = arith.muli %sub3A_138, %mul3A_139 : i32
        %add3A_141 = arith.addi %mul3A_2, %mul3A_140 : i32
        %dma_wait3A_142 = arith.constant 1 : i32
        %dma_wait3A_143 = arith.constant 0 : i32
        %dma_wait3A_144 = tpu.memref_slice %arg6[%dma_wait3A_142, %dma_wait3A_143] : memref<2x16384xi32, #tpu.memory_space<vmem>> -> memref<1x16384xi32, #tpu.memory_space<vmem>>
        %dma_wait3A_145 = tpu.memref_squeeze %dma_wait3A_144 : memref<1x16384xi32, #tpu.memory_space<vmem>> -> memref<16384xi32, #tpu.memory_space<vmem>>
        %dma_wait3A_146 = tpu.memref_slice %arg4[%add3A_141] : memref<33554432xi32, #tpu.memory_space<hbm>> -> memref<16384xi32, #tpu.memory_space<hbm>>
        %dma_wait3A_147 = tpu.memref_slice %arg4[%add3A_141] : memref<33554432xi32, #tpu.memory_space<hbm>> -> memref<16384xi32, #tpu.memory_space<hbm>>
        %dma_wait3A_148 = arith.constant 0 : i32
        %dma_wait3A_149 = tpu.memref_slice %arg6[%dma_wait3A_142, %dma_wait3A_148] : memref<2x16384xi32, #tpu.memory_space<vmem>> -> memref<1x16384xi32, #tpu.memory_space<vmem>>
        %dma_wait3A_150 = tpu.memref_squeeze %dma_wait3A_149 : memref<1x16384xi32, #tpu.memory_space<vmem>> -> memref<16384xi32, #tpu.memory_space<vmem>>
        tpu.wait_dma2 semaphore(%arg11 : memref<!tpu.dma_semaphore, #tpu.memory_space<semaphore_mem>>) src(%dma_wait3A_150 : memref<16384xi32, #tpu.memory_space<vmem>>) dst(%dma_wait3A_147 : memref<16384xi32, #tpu.memory_space<hbm>>)
      } else {
      }
      %scan3A_118 = arith.constant 0 : i32
      %scan3A_119 = arith.constant 0 : i32
      %scan3A_120 = arith.constant 128 : i32
      %scan3A_121 = arith.addi %scan3A_119, %scan3A_120 : i32
      %scan3A_122 = arith.constant 1 : i32
      %scan3A_123 = scf.for %scan3A_138 = %scan3A_119 to %scan3A_121 step %scan3A_122 iter_args(%scan3A_139 = %scan3A_118) -> (i32)  : i32 {
        %mul3A_140 = arith.constant 128 : i32
        %mul3A_141 = arith.muli %scan3A_138, %mul3A_140 : i32
        %add3A_142 = arith.constant 0 : i32
        %add3A_143 = arith.addi %mul3A_141, %add3A_142 : i32
        %get3A_144 = arith.constant 1 : i32
        %get3A_145 = arith.index_cast %get3A_144 : i32 to index
        %get3A_146 = arith.index_cast %add3A_143 : i32 to index
        %get3A_147 = tpu.vector_load %arg5[%get3A_145, %get3A_146] {strides = array<i32>} : memref<2x16384xf32, #tpu.memory_space<vmem>>, vector<1x16xf32>,
        %get3A_148 = vector.shape_cast %get3A_147 : vector<1x16xf32> to vector<16xf32>
        %sub3A = arith.subf %get3A_148, %get3A_4 : vector<16xf32>
        %mul3A_149 = arith.mulf %sub3A, %get3A_7 : vector<16xf32>
        %max3A = arith.constant 0.000000e+00 : f32
        %max3A_150 = vector.broadcast %max3A : f32 to vector<16xf32>
        %max3A_151 = arith.maximumf %mul3A_149, %max3A_150 : vector<16xf32>
        %min3A = arith.constant 1.023000e+03 : f32
        %min3A_152 = vector.broadcast %min3A : f32 to vector<16xf32>
        %min3A_153 = arith.minimumf %max3A_151, %min3A_152 : vector<16xf32>
        %convert_element_type3A_154 = arith.fptosi %min3A_153 : vector<16xf32> to vector<16xi32>
        %add3A_155 = arith.constant 0 : i32
        %add3A_156 = arith.addi %mul3A_141, %add3A_155 : i32
        %swap3A = arith.constant 1 : i32
        %swap3A_157 = arith.index_cast %swap3A : i32 to index
        %swap3A_158 = arith.index_cast %add3A_156 : i32 to index
        %swap3A_159 = tpu.vector_load %arg6[%swap3A_157, %swap3A_158] {strides = array<i32>} : memref<2x16384xi32, #tpu.memory_space<vmem>>, vector<1x16xi32>,
        %swap3A_160 = vector.shape_cast %swap3A_159 : vector<1x16xi32> to vector<16xi32>
        %swap3A_161 = vector.shape_cast %convert_element_type3A_154 : vector<16xi32> to vector<1x16xi32>
        tpu.vector_store %arg6[%swap3A_157, %swap3A_158], %swap3A_161 {strides = array<i32>} : memref<2x16384xi32, #tpu.memory_space<vmem>>, vector<1x16xi32>,
        %add3A_162 = arith.constant 16 : i32
        %add3A_163 = arith.addi %mul3A_141, %add3A_162 : i32
        %get3A_164 = arith.constant 1 : i32
        %get3A_165 = arith.index_cast %get3A_164 : i32 to index
        %get3A_166 = arith.index_cast %add3A_163 : i32 to index
        %get3A_167 = tpu.vector_load %arg5[%get3A_165, %get3A_166] {strides = array<i32>} : memref<2x16384xf32, #tpu.memory_space<vmem>>, vector<1x16xf32>,
        %get3A_168 = vector.shape_cast %get3A_167 : vector<1x16xf32> to vector<16xf32>
        %sub3A_169 = arith.subf %get3A_168, %get3A_4 : vector<16xf32>
        %mul3A_170 = arith.mulf %sub3A_169, %get3A_7 : vector<16xf32>
        %max3A_171 = arith.constant 0.000000e+00 : f32
        %max3A_172 = vector.broadcast %max3A_171 : f32 to vector<16xf32>
        %max3A_173 = arith.maximumf %mul3A_170, %max3A_172 : vector<16xf32>
        %min3A_174 = arith.constant 1.023000e+03 : f32
        %min3A_175 = vector.broadcast %min3A_174 : f32 to vector<16xf32>
        %min3A_176 = arith.minimumf %max3A_173, %min3A_175 : vector<16xf32>
        %convert_element_type3A_177 = arith.fptosi %min3A_176 : vector<16xf32> to vector<16xi32>
        %add3A_178 = arith.constant 16 : i32
        %add3A_179 = arith.addi %mul3A_141, %add3A_178 : i32
        %swap3A_180 = arith.constant 1 : i32
        %swap3A_181 = arith.index_cast %swap3A_180 : i32 to index
        %swap3A_182 = arith.index_cast %add3A_179 : i32 to index
        %swap3A_183 = tpu.vector_load %arg6[%swap3A_181, %swap3A_182] {strides = array<i32>} : memref<2x16384xi32, #tpu.memory_space<vmem>>, vector<1x16xi32>,
        %swap3A_184 = vector.shape_cast %swap3A_183 : vector<1x16xi32> to vector<16xi32>
        %swap3A_185 = vector.shape_cast %convert_element_type3A_177 : vector<16xi32> to vector<1x16xi32>
        tpu.vector_store %arg6[%swap3A_181, %swap3A_182], %swap3A_185 {strides = array<i32>} : memref<2x16384xi32, #tpu.memory_space<vmem>>, vector<1x16xi32>,
        %add3A_186 = arith.constant 32 : i32
        %add3A_187 = arith.addi %mul3A_141, %add3A_186 : i32
        %get3A_188 = arith.constant 1 : i32
        %get3A_189 = arith.index_cast %get3A_188 : i32 to index
        %get3A_190 = arith.index_cast %add3A_187 : i32 to index
        %get3A_191 = tpu.vector_load %arg5[%get3A_189, %get3A_190] {strides = array<i32>} : memref<2x16384xf32, #tpu.memory_space<vmem>>, vector<1x16xf32>,
        %get3A_192 = vector.shape_cast %get3A_191 : vector<1x16xf32> to vector<16xf32>
        %sub3A_193 = arith.subf %get3A_192, %get3A_4 : vector<16xf32>
        %mul3A_194 = arith.mulf %sub3A_193, %get3A_7 : vector<16xf32>
        %max3A_195 = arith.constant 0.000000e+00 : f32
        %max3A_196 = vector.broadcast %max3A_195 : f32 to vector<16xf32>
        %max3A_197 = arith.maximumf %mul3A_194, %max3A_196 : vector<16xf32>
        %min3A_198 = arith.constant 1.023000e+03 : f32
        %min3A_199 = vector.broadcast %min3A_198 : f32 to vector<16xf32>
        %min3A_200 = arith.minimumf %max3A_197, %min3A_199 : vector<16xf32>
        %convert_element_type3A_201 = arith.fptosi %min3A_200 : vector<16xf32> to vector<16xi32>
        %add3A_202 = arith.constant 32 : i32
        %add3A_203 = arith.addi %mul3A_141, %add3A_202 : i32
        %swap3A_204 = arith.constant 1 : i32
        %swap3A_205 = arith.index_cast %swap3A_204 : i32 to index
        %swap3A_206 = arith.index_cast %add3A_203 : i32 to index
        %swap3A_207 = tpu.vector_load %arg6[%swap3A_205, %swap3A_206] {strides = array<i32>} : memref<2x16384xi32, #tpu.memory_space<vmem>>, vector<1x16xi32>,
        %swap3A_208 = vector.shape_cast %swap3A_207 : vector<1x16xi32> to vector<16xi32>
        %swap3A_209 = vector.shape_cast %convert_element_type3A_201 : vector<16xi32> to vector<1x16xi32>
        tpu.vector_store %arg6[%swap3A_205, %swap3A_206], %swap3A_209 {strides = array<i32>} : memref<2x16384xi32, #tpu.memory_space<vmem>>, vector<1x16xi32>,
        %add3A_210 = arith.constant 48 : i32
        %add3A_211 = arith.addi %mul3A_141, %add3A_210 : i32
        %get3A_212 = arith.constant 1 : i32
        %get3A_213 = arith.index_cast %get3A_212 : i32 to index
        %get3A_214 = arith.index_cast %add3A_211 : i32 to index
        %get3A_215 = tpu.vector_load %arg5[%get3A_213, %get3A_214] {strides = array<i32>} : memref<2x16384xf32, #tpu.memory_space<vmem>>, vector<1x16xf32>,
        %get3A_216 = vector.shape_cast %get3A_215 : vector<1x16xf32> to vector<16xf32>
        %sub3A_217 = arith.subf %get3A_216, %get3A_4 : vector<16xf32>
        %mul3A_218 = arith.mulf %sub3A_217, %get3A_7 : vector<16xf32>
        %max3A_219 = arith.constant 0.000000e+00 : f32
        %max3A_220 = vector.broadcast %max3A_219 : f32 to vector<16xf32>
        %max3A_221 = arith.maximumf %mul3A_218, %max3A_220 : vector<16xf32>
        %min3A_222 = arith.constant 1.023000e+03 : f32
        %min3A_223 = vector.broadcast %min3A_222 : f32 to vector<16xf32>
        %min3A_224 = arith.minimumf %max3A_221, %min3A_223 : vector<16xf32>
        %convert_element_type3A_225 = arith.fptosi %min3A_224 : vector<16xf32> to vector<16xi32>
        %add3A_226 = arith.constant 48 : i32
        %add3A_227 = arith.addi %mul3A_141, %add3A_226 : i32
        %swap3A_228 = arith.constant 1 : i32
        %swap3A_229 = arith.index_cast %swap3A_228 : i32 to index
        %swap3A_230 = arith.index_cast %add3A_227 : i32 to index
        %swap3A_231 = tpu.vector_load %arg6[%swap3A_229, %swap3A_230] {strides = array<i32>} : memref<2x16384xi32, #tpu.memory_space<vmem>>, vector<1x16xi32>,
        %swap3A_232 = vector.shape_cast %swap3A_231 : vector<1x16xi32> to vector<16xi32>
        %swap3A_233 = vector.shape_cast %convert_element_type3A_225 : vector<16xi32> to vector<1x16xi32>
        tpu.vector_store %arg6[%swap3A_229, %swap3A_230], %swap3A_233 {strides = array<i32>} : memref<2x16384xi32, #tpu.memory_space<vmem>>, vector<1x16xi32>,
        %add3A_234 = arith.constant 64 : i32
        %add3A_235 = arith.addi %mul3A_141, %add3A_234 : i32
        %get3A_236 = arith.constant 1 : i32
        %get3A_237 = arith.index_cast %get3A_236 : i32 to index
        %get3A_238 = arith.index_cast %add3A_235 : i32 to index
        %get3A_239 = tpu.vector_load %arg5[%get3A_237, %get3A_238] {strides = array<i32>} : memref<2x16384xf32, #tpu.memory_space<vmem>>, vector<1x16xf32>,
        %get3A_240 = vector.shape_cast %get3A_239 : vector<1x16xf32> to vector<16xf32>
        %sub3A_241 = arith.subf %get3A_240, %get3A_4 : vector<16xf32>
        %mul3A_242 = arith.mulf %sub3A_241, %get3A_7 : vector<16xf32>
        %max3A_243 = arith.constant 0.000000e+00 : f32
        %max3A_244 = vector.broadcast %max3A_243 : f32 to vector<16xf32>
        %max3A_245 = arith.maximumf %mul3A_242, %max3A_244 : vector<16xf32>
        %min3A_246 = arith.constant 1.023000e+03 : f32
        %min3A_247 = vector.broadcast %min3A_246 : f32 to vector<16xf32>
        %min3A_248 = arith.minimumf %max3A_245, %min3A_247 : vector<16xf32>
        %convert_element_type3A_249 = arith.fptosi %min3A_248 : vector<16xf32> to vector<16xi32>
        %add3A_250 = arith.constant 64 : i32
        %add3A_251 = arith.addi %mul3A_141, %add3A_250 : i32
        %swap3A_252 = arith.constant 1 : i32
        %swap3A_253 = arith.index_cast %swap3A_252 : i32 to index
        %swap3A_254 = arith.index_cast %add3A_251 : i32 to index
        %swap3A_255 = tpu.vector_load %arg6[%swap3A_253, %swap3A_254] {strides = array<i32>} : memref<2x16384xi32, #tpu.memory_space<vmem>>, vector<1x16xi32>,
        %swap3A_256 = vector.shape_cast %swap3A_255 : vector<1x16xi32> to vector<16xi32>
        %swap3A_257 = vector.shape_cast %convert_element_type3A_249 : vector<16xi32> to vector<1x16xi32>
        tpu.vector_store %arg6[%swap3A_253, %swap3A_254], %swap3A_257 {strides = array<i32>} : memref<2x16384xi32, #tpu.memory_space<vmem>>, vector<1x16xi32>,
        %add3A_258 = arith.constant 80 : i32
        %add3A_259 = arith.addi %mul3A_141, %add3A_258 : i32
        %get3A_260 = arith.constant 1 : i32
        %get3A_261 = arith.index_cast %get3A_260 : i32 to index
        %get3A_262 = arith.index_cast %add3A_259 : i32 to index
        %get3A_263 = tpu.vector_load %arg5[%get3A_261, %get3A_262] {strides = array<i32>} : memref<2x16384xf32, #tpu.memory_space<vmem>>, vector<1x16xf32>,
        %get3A_264 = vector.shape_cast %get3A_263 : vector<1x16xf32> to vector<16xf32>
        %sub3A_265 = arith.subf %get3A_264, %get3A_4 : vector<16xf32>
        %mul3A_266 = arith.mulf %sub3A_265, %get3A_7 : vector<16xf32>
        %max3A_267 = arith.constant 0.000000e+00 : f32
        %max3A_268 = vector.broadcast %max3A_267 : f32 to vector<16xf32>
        %max3A_269 = arith.maximumf %mul3A_266, %max3A_268 : vector<16xf32>
        %min3A_270 = arith.constant 1.023000e+03 : f32
        %min3A_271 = vector.broadcast %min3A_270 : f32 to vector<16xf32>
        %min3A_272 = arith.minimumf %max3A_269, %min3A_271 : vector<16xf32>
        %convert_element_type3A_273 = arith.fptosi %min3A_272 : vector<16xf32> to vector<16xi32>
        %add3A_274 = arith.constant 80 : i32
        %add3A_275 = arith.addi %mul3A_141, %add3A_274 : i32
        %swap3A_276 = arith.constant 1 : i32
        %swap3A_277 = arith.index_cast %swap3A_276 : i32 to index
        %swap3A_278 = arith.index_cast %add3A_275 : i32 to index
        %swap3A_279 = tpu.vector_load %arg6[%swap3A_277, %swap3A_278] {strides = array<i32>} : memref<2x16384xi32, #tpu.memory_space<vmem>>, vector<1x16xi32>,
        %swap3A_280 = vector.shape_cast %swap3A_279 : vector<1x16xi32> to vector<16xi32>
        %swap3A_281 = vector.shape_cast %convert_element_type3A_273 : vector<16xi32> to vector<1x16xi32>
        tpu.vector_store %arg6[%swap3A_277, %swap3A_278], %swap3A_281 {strides = array<i32>} : memref<2x16384xi32, #tpu.memory_space<vmem>>, vector<1x16xi32>,
        %add3A_282 = arith.constant 96 : i32
        %add3A_283 = arith.addi %mul3A_141, %add3A_282 : i32
        %get3A_284 = arith.constant 1 : i32
        %get3A_285 = arith.index_cast %get3A_284 : i32 to index
        %get3A_286 = arith.index_cast %add3A_283 : i32 to index
        %get3A_287 = tpu.vector_load %arg5[%get3A_285, %get3A_286] {strides = array<i32>} : memref<2x16384xf32, #tpu.memory_space<vmem>>, vector<1x16xf32>,
        %get3A_288 = vector.shape_cast %get3A_287 : vector<1x16xf32> to vector<16xf32>
        %sub3A_289 = arith.subf %get3A_288, %get3A_4 : vector<16xf32>
        %mul3A_290 = arith.mulf %sub3A_289, %get3A_7 : vector<16xf32>
        %max3A_291 = arith.constant 0.000000e+00 : f32
        %max3A_292 = vector.broadcast %max3A_291 : f32 to vector<16xf32>
        %max3A_293 = arith.maximumf %mul3A_290, %max3A_292 : vector<16xf32>
        %min3A_294 = arith.constant 1.023000e+03 : f32
        %min3A_295 = vector.broadcast %min3A_294 : f32 to vector<16xf32>
        %min3A_296 = arith.minimumf %max3A_293, %min3A_295 : vector<16xf32>
        %convert_element_type3A_297 = arith.fptosi %min3A_296 : vector<16xf32> to vector<16xi32>
        %add3A_298 = arith.constant 96 : i32
        %add3A_299 = arith.addi %mul3A_141, %add3A_298 : i32
        %swap3A_300 = arith.constant 1 : i32
        %swap3A_301 = arith.index_cast %swap3A_300 : i32 to index
        %swap3A_302 = arith.index_cast %add3A_299 : i32 to index
        %swap3A_303 = tpu.vector_load %arg6[%swap3A_301, %swap3A_302] {strides = array<i32>} : memref<2x16384xi32, #tpu.memory_space<vmem>>, vector<1x16xi32>,
        %swap3A_304 = vector.shape_cast %swap3A_303 : vector<1x16xi32> to vector<16xi32>
        %swap3A_305 = vector.shape_cast %convert_element_type3A_297 : vector<16xi32> to vector<1x16xi32>
        tpu.vector_store %arg6[%swap3A_301, %swap3A_302], %swap3A_305 {strides = array<i32>} : memref<2x16384xi32, #tpu.memory_space<vmem>>, vector<1x16xi32>,
        %add3A_306 = arith.constant 112 : i32
        %add3A_307 = arith.addi %mul3A_141, %add3A_306 : i32
        %get3A_308 = arith.constant 1 : i32
        %get3A_309 = arith.index_cast %get3A_308 : i32 to index
        %get3A_310 = arith.index_cast %add3A_307 : i32 to index
        %get3A_311 = tpu.vector_load %arg5[%get3A_309, %get3A_310] {strides = array<i32>} : memref<2x16384xf32, #tpu.memory_space<vmem>>, vector<1x16xf32>,
        %get3A_312 = vector.shape_cast %get3A_311 : vector<1x16xf32> to vector<16xf32>
        %sub3A_313 = arith.subf %get3A_312, %get3A_4 : vector<16xf32>
        %mul3A_314 = arith.mulf %sub3A_313, %get3A_7 : vector<16xf32>
        %max3A_315 = arith.constant 0.000000e+00 : f32
        %max3A_316 = vector.broadcast %max3A_315 : f32 to vector<16xf32>
        %max3A_317 = arith.maximumf %mul3A_314, %max3A_316 : vector<16xf32>
        %min3A_318 = arith.constant 1.023000e+03 : f32
        %min3A_319 = vector.broadcast %min3A_318 : f32 to vector<16xf32>
        %min3A_320 = arith.minimumf %max3A_317, %min3A_319 : vector<16xf32>
        %convert_element_type3A_321 = arith.fptosi %min3A_320 : vector<16xf32> to vector<16xi32>
        %add3A_322 = arith.constant 112 : i32
        %add3A_323 = arith.addi %mul3A_141, %add3A_322 : i32
        %swap3A_324 = arith.constant 1 : i32
        %swap3A_325 = arith.index_cast %swap3A_324 : i32 to index
        %swap3A_326 = arith.index_cast %add3A_323 : i32 to index
        %swap3A_327 = tpu.vector_load %arg6[%swap3A_325, %swap3A_326] {strides = array<i32>} : memref<2x16384xi32, #tpu.memory_space<vmem>>, vector<1x16xi32>,
        %swap3A_328 = vector.shape_cast %swap3A_327 : vector<1x16xi32> to vector<16xi32>
        %swap3A_329 = vector.shape_cast %convert_element_type3A_321 : vector<16xi32> to vector<1x16xi32>
        tpu.vector_store %arg6[%swap3A_325, %swap3A_326], %swap3A_329 {strides = array<i32>} : memref<2x16384xi32, #tpu.memory_space<vmem>>, vector<1x16xi32>,
        %scan3A_330 = arith.constant 0 : i32
        scf.yield %scan3A_330 : i32
      }
      %scan3A_124 = arith.constant 128 : i32
      %mul3A_125 = arith.constant 16384 : i32
      %mul3A_126 = arith.muli %add3A_93, %mul3A_125 : i32
      %add3A_127 = arith.addi %mul3A_2, %mul3A_126 : i32
      %dma_start3A_128 = arith.constant 1 : i32
      %dma_start3A_129 = arith.constant 0 : i32
      %dma_start3A_130 = tpu.memref_slice %arg6[%dma_start3A_128, %dma_start3A_129] : memref<2x16384xi32, #tpu.memory_space<vmem>> -> memref<1x16384xi32, #tpu.memory_space<vmem>>
      %dma_start3A_131 = tpu.memref_squeeze %dma_start3A_130 : memref<1x16384xi32, #tpu.memory_space<vmem>> -> memref<16384xi32, #tpu.memory_space<vmem>>
      %dma_start3A_132 = tpu.memref_slice %arg4[%add3A_127] : memref<33554432xi32, #tpu.memory_space<hbm>> -> memref<16384xi32, #tpu.memory_space<hbm>>
      %dma_start3A_133 = tpu.memref_slice %arg4[%add3A_127] : memref<33554432xi32, #tpu.memory_space<hbm>> -> memref<16384xi32, #tpu.memory_space<hbm>>
      %dma_start3A_134 = arith.constant 0 : i32
      %dma_start3A_135 = tpu.memref_slice %arg6[%dma_start3A_128, %dma_start3A_134] : memref<2x16384xi32, #tpu.memory_space<vmem>> -> memref<1x16384xi32, #tpu.memory_space<vmem>>
      %dma_start3A_136 = tpu.memref_squeeze %dma_start3A_135 : memref<1x16384xi32, #tpu.memory_space<vmem>> -> memref<16384xi32, #tpu.memory_space<vmem>>
      tpu.enqueue_dma source(%dma_start3A_136 : memref<16384xi32, #tpu.memory_space<vmem>>) target(%dma_start3A_133 : memref<16384xi32, #tpu.memory_space<hbm>>) target_semaphore(%arg11 : memref<!tpu.dma_semaphore, #tpu.memory_space<semaphore_mem>>)
      %scan3A_137 = arith.constant 0 : i32
      scf.yield %scan3A_137 : i32
    }
    %scan3A_23 = arith.constant 32 : i32
    %add3A_24 = arith.constant 1015808 : i32
    %add3A_25 = arith.addi %mul3A_2, %add3A_24 : i32
    %dma_wait3A = arith.constant 0 : i32
    %dma_wait3A_26 = arith.constant 0 : i32
    %dma_wait3A_27 = tpu.memref_slice %arg6[%dma_wait3A, %dma_wait3A_26] : memref<2x16384xi32, #tpu.memory_space<vmem>> -> memref<1x16384xi32, #tpu.memory_space<vmem>>
    %dma_wait3A_28 = tpu.memref_squeeze %dma_wait3A_27 : memref<1x16384xi32, #tpu.memory_space<vmem>> -> memref<16384xi32, #tpu.memory_space<vmem>>
    %dma_wait3A_29 = tpu.memref_slice %arg4[%add3A_25] : memref<33554432xi32, #tpu.memory_space<hbm>> -> memref<16384xi32, #tpu.memory_space<hbm>>
    %dma_wait3A_30 = tpu.memref_slice %arg4[%add3A_25] : memref<33554432xi32, #tpu.memory_space<hbm>> -> memref<16384xi32, #tpu.memory_space<hbm>>
    %dma_wait3A_31 = arith.constant 0 : i32
    %dma_wait3A_32 = tpu.memref_slice %arg6[%dma_wait3A, %dma_wait3A_31] : memref<2x16384xi32, #tpu.memory_space<vmem>> -> memref<1x16384xi32, #tpu.memory_space<vmem>>
    %dma_wait3A_33 = tpu.memref_squeeze %dma_wait3A_32 : memref<1x16384xi32, #tpu.memory_space<vmem>> -> memref<16384xi32, #tpu.memory_space<vmem>>
    tpu.wait_dma2 semaphore(%arg10 : memref<!tpu.dma_semaphore, #tpu.memory_space<semaphore_mem>>) src(%dma_wait3A_33 : memref<16384xi32, #tpu.memory_space<vmem>>) dst(%dma_wait3A_30 : memref<16384xi32, #tpu.memory_space<hbm>>)
    %add3A_34 = arith.constant 1032192 : i32
    %add3A_35 = arith.addi %mul3A_2, %add3A_34 : i32
    %dma_wait3A_36 = arith.constant 1 : i32
    %dma_wait3A_37 = arith.constant 0 : i32
    %dma_wait3A_38 = tpu.memref_slice %arg6[%dma_wait3A_36, %dma_wait3A_37] : memref<2x16384xi32, #tpu.memory_space<vmem>> -> memref<1x16384xi32, #tpu.memory_space<vmem>>
    %dma_wait3A_39 = tpu.memref_squeeze %dma_wait3A_38 : memref<1x16384xi32, #tpu.memory_space<vmem>> -> memref<16384xi32, #tpu.memory_space<vmem>>
    %dma_wait3A_40 = tpu.memref_slice %arg4[%add3A_35] : memref<33554432xi32, #tpu.memory_space<hbm>> -> memref<16384xi32, #tpu.memory_space<hbm>>
    %dma_wait3A_41 = tpu.memref_slice %arg4[%add3A_35] : memref<33554432xi32, #tpu.memory_space<hbm>> -> memref<16384xi32, #tpu.memory_space<hbm>>
    %dma_wait3A_42 = arith.constant 0 : i32
    %dma_wait3A_43 = tpu.memref_slice %arg6[%dma_wait3A_36, %dma_wait3A_42] : memref<2x16384xi32, #tpu.memory_space<vmem>> -> memref<1x16384xi32, #tpu.memory_space<vmem>>
    %dma_wait3A_44 = tpu.memref_squeeze %dma_wait3A_43 : memref<1x16384xi32, #tpu.memory_space<vmem>> -> memref<16384xi32, #tpu.memory_space<vmem>>
    tpu.wait_dma2 semaphore(%arg11 : memref<!tpu.dma_semaphore, #tpu.memory_space<semaphore_mem>>) src(%dma_wait3A_44 : memref<16384xi32, #tpu.memory_space<vmem>>) dst(%dma_wait3A_41 : memref<16384xi32, #tpu.memory_space<hbm>>)
    return
  }
}

</mosaic_0001>

<sc_bundles>
// kernel: kernel.3.cloned.1.call-start
scs
__scs_entry_jumppad:
0x0: {  	(pc) =	sbr.rel $0x88, $3  }
0x1: {  	(tag) =	ssettag $0x0;
	lr =	simm.s32 $0x1  }
0x2: {  	[smem:$0x3F9E] =	sst lr;
	_ =	strace $0xD0000000  }
0x3: {  	_ = 	snop  }
0x4: {  	_ = 	snop  }
0x5: {  	_ = 	snop  }
0x6: {  	_ = 	snop  }
0x7: {  	_ = 	snop  }
__scs_overlays_trampoline_lowered:
0x8: {  	[smem:$0x3FAD] =	sst s0  }
0x9: {  	[smem:$0x3FAE] =	sst s1  }
0xa: {  	[smem:$0x3FAF] =	sst s2  }
0xb: {  	[smem:$0x3FB0] =	sst s3  }
0xc: {  	[smem:$0x3FB1] =	sst s4  }
0xd: {  	[smem:$0x3FB2] =	sst s5  }
0xe: {  	[smem:$0x3FB3] =	sst s6  }
0xf: {  	[smem:$0x3FB4] =	sst s7  }
0x10: {  	[smem:$0x3FB5] =	sst s8  }
0x11: {  	[smem:$0x3FB6] =	sst s9;
	s0 =	simm.s32 @!p0 $0x0  }
0x12: {  	s1 =	sld [smem:$0x3F9C];
	s0 =	simm.s32 @p0 $0x1  }
0x13: {  	[smem:$0x3FB7] =	sst s0;
	s0 =	simm.s32 @!p1 $0x0  }
0x14: {  	s2 =	sld [smem:$0x3F9B];
	s0 =	simm.s32 @p1 $0x1  }
0x15: {  	[smem:$0x3FB8] =	sst s0;
	s0 =	simm.s32 @!p2 $0x0  }
0x16: {  	s3 =	sld [smem:$0x3FDB];
	s0 =	simm.s32 @p2 $0x1  }
0x17: {  	s4 =	simm.s32 $0x1BF5;
	[smem:$0x3FBA] =	sst s0  }
0x18: {  	s0 =	sld [smem:$0x3F9D];
	_ =	swait.ge [sflag:s4], $0x0  }
0x19: {  	s7 =	sld [smem:$0x3F9E]  }
0x1a: {  	s8 =	sadd.s32 $0xFFFFE003, lr  }
0x1b: {  	s9 =	sadd.s32 $0xFFFFFEF7, lr;
	s5 =	simm.s32 $0xFFFFFFFF;
	p2 =	slt.u32 s8, $0xFFFFF086  }
0x1c: {  	p1 =	slt.u32 s9, $0xF7A;
	s5 =	simm.s32 @!p2 $0x0  }
0x1d: {  	s5 =	simm.s32 @p1 $0x1;
	p0 =	seq.s32 s7, s2  }
0x1e: {  	s7 =	smul.u32 @!p0 $0xF7A, s2;
	p2 =	seq.s32 @!p0 s5, $0x0  }
0x1f: {  	s9 =	smul.u32 $0xF7A, s1;
	s8 =	simm.s32 @!p0 $0x1BF5;
	p2 =	por !p2, p0  }
0x20: {  	[sflag:s8] =	ssyncset.s32 @!p0 $0xFFFFF086;
	s6 =	sadd.s32 @!p0 s3, s7;
	s7 =	simm.s32 @!p0 $0x108  }
0x21: {  	s3 =	sadd.s32 s3, s9;
	s6 =	sadd.s32 @!p0 $0x88, s6;
	s7 =	simm.s32 @p2 $0x1082  }
0x22: {  	[simem:s7], [sflag:s8] =	dma.local @!p0 [hbm:s6], $0xF7A  }
0x23: {  	s9 =	sor.u32 $0xD0000000, s2;
	s6 =	simm.s32 $0x108;
	_ =	swait.ge @!p0 [sflag:s8], $0x0  }
0x24: {  	s3 =	sadd.s32 $0x88, s3;
	s6 =	simm.s32 @!p1 $0x1082;
	[sflag:s4] =	ssyncset.s32 $0xFFFFF086  }
0x25: {  	[simem:s6], [sflag:s4] =	dma.local [hbm:s3], $0xF7A  }
0x26: {  	[smem:$0x3F9E] =	sst s1;
	(tag) =	ssettag s2;
	_ =	strace s9  }
0x27: {  	s1 =	sld [smem:$0x3FAE]  }
0x28: {  	s2 =	sld [smem:$0x3FAF]  }
0x29: {  	s4 =	sld [smem:$0x3FB1]  }
0x2a: {  	p0 =	seq.s32 s5, $0x0;
	s5 =	sld [smem:$0x3FB2]  }
0x2b: {  	s6 =	sld [smem:$0x3FB3]  }
0x2c: {  	s7 =	sld [smem:$0x3FB4]  }
0x2d: {  	s3 =	simm.s32 $0x108;
	s8 =	sld [smem:$0x3FB5]  }
0x2e: {  	s3 =	simm.s32 @!p0 $0x1082;
	s9 =	sld [smem:$0x3FB6]  }
0x2f: {  	lr =	sadd.s32 s0, s3;
	s0 =	sld [smem:$0x3FAD]  }
0x30: {  	s3 =	sld [smem:$0x3FB0]  }
0x31: {  	[smem:$0x3FB9] =	sst s10  }
0x32: {  	s10 =	sld [smem:$0x3FB7];
	_ =	sdelay $0x3  }
0x33: {  	p0 =	seq.s32 s10, $0x1;
	s10 =	sld [smem:$0x3FB9];
	_ =	sdelay $0x3  }
0x34: {  	[smem:$0x3FB9] =	sst s10  }
0x35: {  	s10 =	sld [smem:$0x3FB8];
	_ =	sdelay $0x3  }
0x36: {  	p1 =	seq.s32 s10, $0x1;
	s10 =	sld [smem:$0x3FB9];
	_ =	sdelay $0x3  }
0x37: {  	[smem:$0x3FB9] =	sst s10  }
0x38: {  	s10 =	sld [smem:$0x3FBA]  }
0x39: {  	_ = 	snop;
	(pc) =	sbr.ind lr, $3  }
0x3a: {  	_ = 	snop  }
0x3b: {  	_ = 	snop  }
0x3c: {  	p2 =	seq.s32 s10, $0x1;
	s10 =	sld [smem:$0x3FB9]  }
0x3d: {  	_ =	shalt  }
0x3e: {  	_ =	shalt  }
0x3f: {  	_ =	shalt  }
0x40: {  	_ =	shalt  }
0x41: {  	_ =	shalt  }
0x42: {  	_ =	shalt  }
0x43: {  	_ =	shalt  }
0x44: {  	_ =	shalt  }
0x45: {  	_ =	shalt  }
0x46: {  	_ =	shalt  }
0x47: {  	_ =	shalt  }
0x48: {  	_ =	shalt  }
0x49: {  	_ =	shalt  }
0x4a: {  	_ =	shalt  }
0x4b: {  	_ =	shalt  }
0x4c: {  	_ =	shalt  }
0x4d: {  	_ =	shalt  }
0x4e: {  	_ =	shalt  }
0x4f: {  	_ =	shalt  }
0x50: {  	_ =	shalt  }
0x51: {  	_ =	shalt  }
0x52: {  	_ =	shalt  }
0x53: {  	_ =	shalt  }
0x54: {  	_ =	shalt  }
0x55: {  	_ =	shalt  }
0x56: {  	_ =	shalt  }
0x57: {  	_ =	shalt  }
0x58: {  	_ =	shalt  }
0x59: {  	_ =	shalt  }
0x5a: {  	_ =	shalt  }
0x5b: {  	_ =	shalt  }
0x5c: {  	_ =	shalt  }
0x5d: {  	_ =	shalt  }
0x5e: {  	_ =	shalt  }
0x5f: {  	_ =	shalt  }
0x60: {  	_ =	shalt  }
0x61: {  	_ =	shalt  }
0x62: {  	_ =	shalt  }
0x63: {  	_ =	shalt  }
0x64: {  	_ =	shalt  }
0x65: {  	_ =	shalt  }
0x66: {  	_ =	shalt  }
0x67: {  	_ =	shalt  }
0x68: {  	_ =	shalt  }
0x69: {  	_ =	shalt  }
0x6a: {  	_ =	shalt  }
0x6b: {  	_ =	shalt  }
0x6c: {  	_ =	shalt  }
0x6d: {  	_ =	shalt  }
0x6e: {  	_ =	shalt  }
0x6f: {  	_ =	shalt  }
0x70: {  	_ =	shalt  }
0x71: {  	_ =	shalt  }
0x72: {  	_ =	shalt  }
0x73: {  	_ =	shalt  }
0x74: {  	_ =	shalt  }
0x75: {  	_ =	shalt  }
0x76: {  	_ =	shalt  }
0x77: {  	_ =	shalt  }
0x78: {  	_ =	shalt  }
0x79: {  	_ =	shalt  }
0x7a: {  	_ =	shalt  }
0x7b: {  	_ =	shalt  }
0x7c: {  	_ =	shalt  }
0x7d: {  	_ =	shalt  }
0x7e: {  	_ =	shalt  }
0x7f: {  	_ =	shalt  }
0x80: {  	_ =	shalt  }
0x81: {  	_ =	shalt  }
0x82: {  	_ =	shalt  }
0x83: {  	_ =	shalt  }
0x84: {  	_ =	shalt  }
0x85: {  	_ =	shalt  }
0x86: {  	_ =	shalt  }
0x87: {  	_ =	shalt  }
.Lfunc_end0:
.L_simem_size_0:
called_computation.1_lowered:
.L_overlay_start_0:
0x88: {  	s2 =	sld [smem:$0x3FD9]  }
0x89: {  	s3 =	sld [smem:$0x3FFE];
	_ =	sdelay $0x1  }
0x8a: {  	s1 =	srdreg.scid  }
0x8b: {  	s0 =	sand.u32 $0x1, s1  }
0x8c: {  	s17 =	sshll.u32 s0, $0xA;
	s2 =	sadd.s32 s3, s2  }
0x8d: {  	s2 =	sadd.s32 s2, s17  }
0x8e: {  	[smem:$0x3FC5] =	sst s2  }
0x8f: {  	_ = 	snop  }
0x90: {  	s2 =	sld [smem:$0x3FD0];
	(tm) =	ssettm $0x1  }
0x91: {  	s18 =	sld [smem:$0x3FFB];
	_ =	sdelay $0x3  }
0x92: {  	_ =	strace s18  }
0x93: {  	s3 =	sld [smem:$0x3FFC];
	_ =	sdelay $0x3  }
0x94: {  	_ =	strace s3  }
0x95: {  	s3 =	sld [smem:$0x3FFD];
	_ =	sdelay $0x3  }
0x96: {  	_ =	strace s3  }
0x97: {  	_ =	strace $0x8FFFFFFF  }
0x98: {  	s19 =	sld [smem:$0x3FDB];
	_ =	sdelay $0x1  }
0x99: {  	s4 =	simm.s32 $_scs_section_size  }
0x9a: {  	s5 =	simm.s32 $_size__tile_overlayer_lowered;
	s6 =	simm.s32 $_tile_overlayer_lowered  }
0x9b: {  	s22 =	simm.s32 $0x1BFF;
	s21 =	sshll.u32 s6, $0x1;
	s3 =	sadd.s32 s4, s19  }
0x9c: {  	s7 =	simm.s32 $0x0;
	s20 =	sshll.u32 s5, $0x1;
	s5 =	sadd.s32 s21, s3  }
0x9d: {  	[timem:s7], [sflag:s22] =	dma.local [hbm:s5], s20  }
0x9e: {  	_ =	swait.ge [sflag:s22], s20  }
0x9f: {  	s4 =	ssub.s32 $0x0, s20;
	[sflag:s22] =	ssyncset.done $0x0  }
0xa0: {  	[sflag:s22] =	ssyncadd.s32 s4;
	_ =	sdelay $0x1  }
0xa1: {  	s23 =	simm.s32 $0x1B8B  }
0xa2: {  	_ =	swait.ge [sflag:s23], $0x1  }
0xa3: {  	[sflag:s23] =	ssyncset.done $0x0  }
0xa4: {  	s25 =	simm.s32 $0x1B8E;
	s24 =	sld [smem:$0x3FFE];
	[sflag:s23] =	ssyncadd.s32 $0xFFFFFFFF  }
0xa5: {  	s26 =	simm.s32 $execute0_lowered;
	[smem:$0x3FD2] =	sst s25  }
0xa6: {  	s5 =	sshll.u32 s26, $0x1;
	_ =	strace $0x80000049;
	[dreg:$0x1] =	wrdreg $0xFFFFFFFF  }
0xa7: {  	s28 =	simm.s32 $_size_execute0_lowered;
	s3 =	sadd.s32 s3, s5;
	[dreg:$0x0] =	wrdreg $0x0  }
0xa8: {  	s5 =	sshll.u32 s28, $0x1;
	[dreg:$0x2] =	wrdreg s3  }
0xa9: {  	[dreg:$0x3] =	wrdreg s5  }
0xaa: {  	[dreg:$0x4] =	wrdreg $0xC0  }
0xab: {  	_ =	task [dreg:s7], $0x5FFFF  }
0xac: {  	[dreg:$0x1] =	wrdreg $0xFFFFFFFF  }
0xad: {  	[dreg:$0x0] =	wrdreg $0x60  }
0xae: {  	[dreg:$0x2] =	wrdreg s24  }
0xaf: {  	[dreg:$0x3] =	wrdreg s2  }
0xb0: {  	[dreg:$0x4] =	wrdreg $0x9  }
0xb1: {  	_ =	task.clear_ibuf [dreg:s7], $0x5FFFF;
	_ =	strace $0x90000049  }
0xb2: {  	s29 =	simm.s32 $0x9;
	_ =	strace $0x8000004B  }
0xb3: {  	_ =	swait.ge [sflag:s29], $0x1  }
0xb4: {  	[sflag:s29] =	ssyncadd.s32 $0xFFFFFFFF  }
0xb5: {  	_ =	strace $0x9000004B  }
0xb6: {  	_ =	sfence  }
0xb7: {  	s30 =	sld [smem:$0x0];
	_ =	sdelay $0x2  }
0xb8: {  	s31 =	sshll.u32 s1, $0xD;
	s1 =	sshrl.u32 s1, $0x2  }
0xb9: {  	s3 =	sand.u32 $0x4000, s31;
	s1 =	sadd.s32 s1, s30  }
0xba: {  	s0 =	sor.u32 s3, s0;
	s1 =	sshll.u32 s1, $0x11  }
0xbb: {  	s0 =	sor.u32 s1, s0  }
0xbc: {  	s0 =	sadd.s32 $0x8F2B, s0  }
0xbd: {  	[sflag:s0] =	ssyncadd.remote.s32 $0x1  }
0xbe: {  	_ =	sfence.sel $0xFFFF  }
0xbf: {  	[dreg:$0x0] =	wrdreg $0xFFFFFFFF;
	(pc) =	sbr.abs _section_cstart, $3  }
0xc0: {  	[dreg:$0x1] =	wrdreg $0xFFFFFFFF  }
0xc1: {  	_ =	task.clear_ibuf [dreg:s7], $0x2FFFF;
	_ =	strace $0x9FFFFFFF  }
0xc2: {  	(tm) =	ssettm $0x7FFFFFFF  }
0xc3: {  	_ =	shalt  }
tec
execute0_lowered:
.L_overlay_start_1:
0x0: {  	(tag) =	ssettag $0x1  }
0x1: {  	s6 =	rddreg [dreg:$0x0]  }
0x2: {  	s1 =	rddreg [dreg:$0x1]  }
0x3: {  	s0 =	rddreg [dreg:$0x2];
	s3 =	simm.s32 $0x0;
	s4 =	srdreg.scid  }
0x4: {  	s2 =	stileid.u32;
	s11 =	simm.s32 $0x10000;
	s12 =	simm.s32 $0x5  }
0x5: {  	s13 =	simm.s32 $0x1;
	s14 =	simm.s32 $0x2;
	s15 =	simm.s32 $0x4  }
0x6: {  	s16 =	simm.s32 $0x3;
	s17 =	simm.s32 $0x0;
	[smem:$0x7FF] =	sst s3  }
0x7: {  	s5 =	sand.u32 $0x1, s4;
	s7 =	sshll.u32 s2, $0x15;
	s4 =	sadd.s32 $0x800, s6  }
0x8: {  	s6 =	sadd.s32 $0xA00, s6;
	s8 =	sshll.u32 s5, $0x14;
	s9 =	ssub.s32 $0x2, s5  }
0x9: {  	_ =	strace $0x8000004A;
	s5 =	sor.u32 s8, s7;
	s31 =	sshrl.u32 s9, $0x1  }
0xa: {  	s8 =	sshrl.u32 s5, $0x3;
	s10 =	ssub.s32 s9, s31;
	s9 =	sor.u32 $0x8000, s5  }
0xb: {  	s7 =	sadd.s32 s1, s8;
	s8 =	sor.u32 $0x4000, s5;
	s10 =	smax.u32 s10, $0x1  }
.LBB2_1:
0xc: {  	[tilespmem:s11], [sflag:$0x5] =	stream.linear.gather [hbm4b:s4+s3], $0x80, $0x38;
	[tilespmem:$0x10080] =	vst v63  }
0xd: {  	_ =	swait.ge [sflag:s12], $0x80  }
0xe: {  	[sflag:s12] =	ssyncset.done $0x0  }
0xf: {  	[sflag:s12] =	ssyncadd.s32 $0xFFFFFF80  }
0x10: {  	v0 =	vld [tilespmem:$0x10000]  }
0x11: {  	v1 =	vld [tilespmem:$0x10010]  }
0x12: {  	s18 =	sadd.s32 $0x0, s7;
	s19 =	simm.s32 $0x10;
	s20 =	simm.s32 $0x0  }
0x13: {  	[tilespmem:s3], [sflag:$0x1] =	stream.linear.gather [hbm4b:s18+s3], $0x80, $0x38;
	[tilespmem:$0x10080] =	vst v63  }
.LBB2_2:
0x14: {  	p0 =	sne.s32 s19, $0x7F0  }
.Ltmp0:
0x15: {  	_ = 	snop;
	(pc) =	sbr.rel @p0 .LBB2_2-.Ltmp0, $4  }
0x16: {  	_ = 	snop  }
0x17: {  	s21 =	sadd.s32 s19, s7;
	s20 =	sadd.s32 $0x100, s20  }
0x18: {  	s18 =	simm.s32 $0x0;
	s19 =	sadd.s32 $0x10, s19  }
0x19: {  	[tilespmem:s20], [sflag:$0x1] =	stream.linear.gather [hbm4b:s21+s18], $0x80, $0x38;
	[tilespmem:$0x10080] =	vst v63  }
.LBB2_3:
0x1a: {  	s20 =	sshll.u32 s18, $0xF  }
0x1b: {  	s19 =	sadd.s32 s8, s20  }
0x1c: {  	s19 =	sshrl.u32 s19, $0x3  }
0x1d: {  	s22 =	simm.s32 $0x80;
	s21 =	sadd.s32 s1, s19  }
0x1e: {  	s23 =	simm.s32 $0x10;
	s24 =	simm.s32 $0x180;
	s25 =	sadd.s32 $0x0, s21  }
.LBB2_4:
0x1f: {  	[tilespmem:s22], [sflag:$0x2] =	stream.linear.gather [hbm4b:s25+s3], $0x80, $0x38;
	[tilespmem:$0x10080] =	vst v63  }
0x20: {  	s25 =	smov.u32 s23;
	s22 =	smov.u32 s24;
	p0 =	sne.s32 s23, $0x7F0  }
.Ltmp1:
0x21: {  	s23 =	sadd.s32 $0x10, s23;
	(pc) =	sbr.rel @p0 .LBB2_4-.Ltmp1, $2  }
0x22: {  	_ =	sdelay $0x2  }
0x23: {  	s24 =	sadd.s32 $0x100, s24;
	s25 =	sadd.s32 s25, s21  }
0x24: {  	[tilespmem:s22], [sflag:$0x2] =	stream.linear.gather [hbm4b:s25+s3], $0x80, $0x38;
	[tilespmem:$0x10080] =	vst v63  }
0x25: {  	_ =	swait.ge [sflag:s13], $0x4000  }
0x26: {  	p0 =	seq.s32 s18, $0x0;
	[sflag:s13] =	ssyncset.done $0x0  }
0x27: {  	s21 =	simm.s32 @!p0 $0x3;
	[sflag:s13] =	ssyncadd.s32 $0xFFFFC000  }
0x28: {  	_ =	swait.ge @!p0 [sflag:s21], $0x4000  }
0x29: {  	[sflag:s21] =	ssyncset.done @!p0 $0x0  }
0x2a: {  	s22 =	simm.s32 $0x0;
	[sflag:s21] =	ssyncadd.s32 @!p0 $0xFFFFC000  }
0x2b: {  	v2 =	vld [tilespmem:s22+$0x30];
	_ =	sdelay $0x1  }
0x2c: {  	v3 =	vld [tilespmem:s22+$0x20];
	_ =	sdelay $0x2  }
0x2d: {  	v2 =	vsub.f32 v2, v0  }
0x2e: {  	v4 =	vld [tilespmem:s22+$0x70]  }
0x2f: {  	v5 =	vld [tilespmem:s22+$0x40];
	v3 =	vsub.f32 v3, v0;
	v2 =	vmul.f32 v2, v1  }
0x30: {  	v9 =	vld [tilespmem:s22+$0x50]  }
0x31: {  	v8 =	vld [tilespmem:s22+$0x0];
	v3 =	vmul.f32 v3, v1;
	v2 =	vmax.f32 v2, $0.0e+00  }
0x32: {  	v6 =	vld [tilespmem:s22+$0x10];
	v2 =	vmin.f32 v2, $1.023000000e+03  }
0x33: {  	v7 =	vld [tilespmem:s22+$0x60];
	v3 =	vmax.f32 v3, $0.0e+00;
	v2 =	vtrunc.f32 v2  }
0x34: {  	v3 =	vmin.f32 v3, $1.023000000e+03;
	v2 =	vcvt.f32.s32 v2  }
0x35: {  	s21 =	simm.s32 $0x100;
	v9 =	vsub.f32 v9, v0;
	v3 =	vtrunc.f32 v3  }
0x36: {  	v10 =	vld [tilespmem:s21+$0x20];
	v8 =	vsub.f32 v8, v0;
	v3 =	vcvt.f32.s32 v3;
	[tilespmem:s22+$0x8030] =	vst v2  }
0x37: {  	v9 =	vmul.f32 v9, v1;
	v2 =	vsub.f32 v4, v0;
	v4 =	vsub.f32 v6, v0;
	v11 =	vld [tilespmem:s21+$0x30]  }
0x38: {  	v6 =	vld [tilespmem:s21+$0x70];
	[tilespmem:s22+$0x8020] =	vst v3;
	v3 =	vsub.f32 v5, v0;
	v5 =	vsub.f32 v7, v0;
	v7 =	vmul.f32 v8, v1  }
0x39: {  	v9 =	vmax.f32 v9, $0.0e+00;
	v2 =	vmul.f32 v2, v1;
	v4 =	vmul.f32 v4, v1;
	v8 =	vld [tilespmem:s21+$0x40]  }
0x3a: {  	v9 =	vmin.f32 v9, $1.023000000e+03;
	v13 =	vld [tilespmem:s21+$0x10];
	v14 =	vmul.f32 v5, v1;
	v15 =	vmax.f32 v7, $0.0e+00  }
0x3b: {  	v5 =	vsub.f32 v10, v0;
	v2 =	vmax.f32 v2, $0.0e+00;
	v12 =	vmax.f32 v4, $0.0e+00  }
0x3c: {  	v4 =	vmul.f32 v3, v1;
	v3 =	vmin.f32 v12, $1.023000000e+03;
	v11 =	vsub.f32 v11, v0  }
0x3d: {  	v16 =	vld [tilespmem:s21+$0x50];
	v2 =	vmin.f32 v2, $1.023000000e+03;
	v5 =	vmul.f32 v5, v1;
	v10 =	vsub.f32 v6, v0  }
0x3e: {  	v17 =	vld [tilespmem:s21+$0x60];
	v7 =	vtrunc.f32 v2;
	v2 =	vsub.f32 v8, v0;
	v8 =	vmul.f32 v11, v1  }
0x3f: {  	v6 =	vsub.f32 v13, v0;
	v5 =	vmax.f32 v5, $0.0e+00;
	v18 =	vmul.f32 v10, v1  }
0x40: {  	v12 =	vmin.f32 v5, $1.023000000e+03;
	v5 =	vmax.f32 v8, $0.0e+00;
	v8 =	vtrunc.f32 v9;
	v9 =	vld [tilespmem:s21+$0x0]  }
0x41: {  	v11 =	vmax.f32 v14, $0.0e+00;
	v10 =	vmin.f32 v5, $1.023000000e+03;
	v63 =	vcvt.f32.s32 v8  }
0x42: {  	v14 =	vmin.f32 v15, $1.023000000e+03;
	v5 =	vsub.f32 v16, v0;
	v8 =	vtrunc.f32 v10  }
0x43: {  	s23 =	sor.u32 s5, s20;
	s24 =	simm.s32 $0x800;
	v10 =	vsub.f32 v17, v0;
	v13 =	vcvt.f32.s32 v8;
	v8 =	vmax.f32 v18, $0.0e+00;
	[tilespmem:s22+$0x8050] =	vst v63  }
.LBB2_6:
0x44: {  	s25 =	sshra.s32 s24, $0x2;
	p1 =	sne.s32 s24, $0x1FC00;
	s24 =	sadd.s32 $0x400, s24;
	v12 =	vtrunc.f32 v12;
	v4 =	vmax.f32 v4, $0.0e+00;
	v7 =	vcvt.f32.s32 v7  }
0x45: {  	v9 =	vsub.f32 v9, v0;
	v15 =	vld [tilespmem:s25+$0x20];
	v12 =	vcvt.f32.s32 v12;
	[tilespmem:s21+$0x8030] =	vst v13;
	v13 =	vtrunc.f32 v3  }
0x46: {  	v11 =	vmin.f32 v11, $1.023000000e+03;
	v3 =	vmul.f32 v6, v1;
	v6 =	vtrunc.f32 v14;
	v16 =	vld [tilespmem:s25+$0x70];
	[tilespmem:s22+$0x8070] =	vst v7  }
0x47: {  	v11 =	vtrunc.f32 v11;
	v9 =	vmul.f32 v9, v1;
	v7 =	vld [tilespmem:s25+$0x30];
	[tilespmem:s21+$0x8020] =	vst v12;
	v12 =	vmin.f32 v4, $1.023000000e+03  }
0x48: {  	v17 =	vmul.f32 v10, v1;
	v6 =	vcvt.f32.s32 v6;
	v3 =	vmax.f32 v3, $0.0e+00;
	v14 =	vld [tilespmem:s25+$0x40]  }
0x49: {  	v4 =	vmul.f32 v2, v1;
	v18 =	vmax.f32 v9, $0.0e+00;
	v12 =	vtrunc.f32 v12;
	v10 =	vld [tilespmem:s25+$0x10]  }
0x4a: {  	v2 =	vmin.f32 v8, $1.023000000e+03;
	v3 =	vmin.f32 v3, $1.023000000e+03;
	v19 =	vld [tilespmem:s25+$0x60];
	[tilespmem:s22+$0x8000] =	vst v6;
	v6 =	vcvt.f32.s32 v11  }
0x4b: {  	v13 =	vcvt.f32.s32 v13;
	v8 =	vsub.f32 v15, v0;
	v9 =	vld [tilespmem:s25+$0x0];
	v11 =	vsub.f32 v16, v0  }
0x4c: {  	v5 =	vmul.f32 v5, v1;
	v15 =	vsub.f32 v7, v0;
	v16 =	vld [tilespmem:s25+$0x50];
	v7 =	vtrunc.f32 v2;
	[tilespmem:s22+$0x8060] =	vst v6  }
0x4d: {  	v12 =	vcvt.f32.s32 v12;
	v8 =	vmul.f32 v8, v1;
	v2 =	vsub.f32 v14, v0;
	[tilespmem:s22+$0x8010] =	vst v13  }
0x4e: {  	v5 =	vmax.f32 v5, $0.0e+00;
	v6 =	vsub.f32 v10, v0;
	v10 =	vmul.f32 v15, v1  }
.Ltmp2:
0x4f: {  	v5 =	vmin.f32 v5, $1.023000000e+03;
	v14 =	vmul.f32 v11, v1;
	v8 =	vmax.f32 v8, $0.0e+00;
	[tilespmem:s22+$0x8040] =	vst v12;
	s22 =	smov.u32 s21;
	s21 =	smov.u32 s25;
	(pc) =	sbr.rel @p1 .LBB2_6-.Ltmp2, $4  }
0x50: {  	v12 =	vmin.f32 v8, $1.023000000e+03;
	v8 =	vmax.f32 v10, $0.0e+00;
	v10 =	vtrunc.f32 v5  }
0x51: {  	v8 =	vmin.f32 v8, $1.023000000e+03;
	v5 =	vsub.f32 v16, v0;
	v15 =	vcvt.f32.s32 v10  }
0x52: {  	v11 =	vmax.f32 v17, $0.0e+00;
	v10 =	vsub.f32 v19, v0;
	v8 =	vtrunc.f32 v8  }
0x53: {  	v13 =	vcvt.f32.s32 v8;
	v8 =	vmax.f32 v14, $0.0e+00;
	v14 =	vmin.f32 v18, $1.023000000e+03;
	[tilespmem:s22+$0x8050] =	vst v15  }
0x54: {  	v12 =	vtrunc.f32 v12;
	v7 =	vcvt.f32.s32 v7  }
0x55: {  	v3 =	vtrunc.f32 v3;
	v6 =	vmul.f32 v6, v1  }
0x56: {  	v9 =	vsub.f32 v9, v0;
	v14 =	vtrunc.f32 v14;
	v10 =	vmul.f32 v10, v1  }
0x57: {  	v11 =	vmin.f32 v11, $1.023000000e+03;
	v5 =	vmul.f32 v5, v1;
	v2 =	vmul.f32 v2, v1  }
0x58: {  	v4 =	vmax.f32 v4, $0.0e+00;
	v12 =	vcvt.f32.s32 v12;
	v11 =	vtrunc.f32 v11  }
0x59: {  	v8 =	vmin.f32 v8, $1.023000000e+03;
	[tilespmem:s21+$0x8030] =	vst v13;
	v57 =	vcvt.f32.s32 v14;
	v3 =	vcvt.f32.s32 v3  }
0x5a: {  	v4 =	vmin.f32 v4, $1.023000000e+03;
	v8 =	vtrunc.f32 v8;
	v9 =	vmul.f32 v9, v1;
	[tilespmem:s22+$0x8070] =	vst v7  }
0x5b: {  	v6 =	vmax.f32 v6, $0.0e+00;
	v4 =	vtrunc.f32 v4;
	v59 =	vcvt.f32.s32 v11;
	[tilespmem:s21+$0x8020] =	vst v12  }
0x5c: {  	v5 =	vmax.f32 v5, $0.0e+00;
	v60 =	vmax.f32 v10, $0.0e+00;
	v61 =	vcvt.f32.s32 v8;
	[tilespmem:s22+$0x8000] =	vst v57  }
0x5d: {  	v2 =	vmax.f32 v2, $0.0e+00;
	v5 =	vmin.f32 v5, $1.023000000e+03;
	v4 =	vcvt.f32.s32 v4;
	[tilespmem:s22+$0x8060] =	vst v59  }
0x5e: {  	v6 =	vmin.f32 v6, $1.023000000e+03;
	v2 =	vmin.f32 v2, $1.023000000e+03;
	v5 =	vtrunc.f32 v5;
	[tilespmem:s22+$0x8010] =	vst v3  }
0x5f: {  	v58 =	vmax.f32 v9, $0.0e+00;
	v6 =	vtrunc.f32 v6;
	v3 =	vcvt.f32.s32 v5;
	[tilespmem:s22+$0x8040] =	vst v4  }
0x60: {  	v2 =	vtrunc.f32 v2;
	v7 =	vmin.f32 v58, $1.023000000e+03;
	v63 =	vcvt.f32.s32 v6;
	[tilespmem:s21+$0x8070] =	vst v61  }
0x61: {  	v5 =	vmin.f32 v60, $1.023000000e+03;
	v2 =	vcvt.f32.s32 v2;
	v7 =	vtrunc.f32 v7;
	[tilespmem:s21+$0x8050] =	vst v3  }
0x62: {  	v3 =	vtrunc.f32 v5;
	v62 =	vcvt.f32.s32 v7;
	[tilespmem:s21+$0x8010] =	vst v63  }
0x63: {  	s31 =	sshrl.u32 s23, $0x3;
	[tilespmem:s21+$0x8040] =	vst v2;
	v3 =	vcvt.f32.s32 v3  }
0x64: {  	s23 =	simm.s32 $0x8000;
	s22 =	sadd.s32 s6, s31;
	[tilespmem:s21+$0x8000] =	vst v62  }
0x65: {  	s24 =	simm.s32 $0x8100;
	s25 =	sadd.s32 $0x0, s22;
	[tilespmem:s21+$0x8060] =	vst v3;
	s21 =	simm.s32 $0x10  }
.LBB2_8:
0x66: {  	[hbm4b:s25+s3] =	stream.linear.scatter [tilespmem:s23], [sflag:$0x3], $0x80, $0x38;
	[tilespmem:$0x10080] =	vst v63  }
0x67: {  	s25 =	smov.u32 s21;
	s23 =	smov.u32 s24;
	p1 =	sne.s32 s21, $0x7F0  }
.Ltmp3:
0x68: {  	s21 =	sadd.s32 $0x10, s21;
	(pc) =	sbr.rel @p1 .LBB2_8-.Ltmp3, $2  }
0x69: {  	_ =	sdelay $0x2  }
0x6a: {  	s24 =	sadd.s32 $0x100, s24;
	s25 =	sadd.s32 s25, s22  }
0x6b: {  	p1 =	sne.s32 s18, $0x1F  }
.Ltmp4:
0x6c: {  	_ = 	snop;
	(pc) =	sbr.rel @p1 .LBB2_11-.Ltmp4, $2  }
0x6d: {  	_ =	sdelay $0x2  }
0x6e: {  	[hbm4b:s25+s3] =	stream.linear.scatter [tilespmem:s23], [sflag:$0x3], $0x80, $0x38;
	[tilespmem:$0x10080] =	vst v63  }
.Ltmp5:
0x6f: {  	(pc) =	sbr.rel .LBB2_14-.Ltmp5, $4  }
0x70: {  	_ = 	snop  }
0x71: {  	_ =	swait.ge [sflag:s14], $0x4000  }
0x72: {  	[sflag:s14] =	ssyncset.done $0x0  }
0x73: {  	[sflag:s14] =	ssyncadd.s32 $0xFFFFC000  }
.LBB2_11:
0x74: {  	s20 =	sadd.s32 s20, s9  }
0x75: {  	s20 =	sshrl.u32 s20, $0x3  }
0x76: {  	s21 =	simm.s32 $0x0;
	s20 =	sadd.s32 s1, s20  }
0x77: {  	s22 =	simm.s32 $0x10;
	s23 =	simm.s32 $0x100;
	s24 =	sadd.s32 $0x0, s20  }
.LBB2_12:
0x78: {  	[tilespmem:s21], [sflag:$0x1] =	stream.linear.gather [hbm4b:s24+s3], $0x80, $0x38;
	[tilespmem:$0x10080] =	vst v63  }
0x79: {  	s24 =	smov.u32 s22;
	s21 =	smov.u32 s23;
	p1 =	sne.s32 s22, $0x7F0  }
.Ltmp6:
0x7a: {  	s22 =	sadd.s32 $0x10, s22;
	(pc) =	sbr.rel @p1 .LBB2_12-.Ltmp6, $2  }
0x7b: {  	_ =	sdelay $0x2  }
0x7c: {  	s23 =	sadd.s32 $0x100, s23;
	s24 =	sadd.s32 s24, s20  }
.Ltmp7:
0x7d: {  	(pc) =	sbr.rel @p0 .LBB2_15-.Ltmp7, $4  }
0x7e: {  	[tilespmem:s21], [sflag:$0x1] =	stream.linear.gather [hbm4b:s24+s3], $0x80, $0x38;
	[tilespmem:$0x10080] =	vst v63  }
0x7f: {  	_ =	swait.ge [sflag:s14], $0x4000  }
0x80: {  	[sflag:s14] =	ssyncset.done $0x0  }
0x81: {  	[sflag:s14] =	ssyncadd.s32 $0xFFFFC000  }
.LBB2_14:
0x82: {  	_ =	swait.ge [sflag:s15], $0x4000  }
0x83: {  	[sflag:s15] =	ssyncset.done $0x0  }
0x84: {  	[sflag:s15] =	ssyncadd.s32 $0xFFFFC000  }
.LBB2_15:
0x85: {  	s21 =	simm.s32 $0x0  }
0x86: {  	v2 =	vld [tilespmem:s21+$0xB0];
	_ =	sdelay $0x1  }
0x87: {  	v3 =	vld [tilespmem:s21+$0xA0];
	_ =	sdelay $0x2  }
0x88: {  	v2 =	vsub.f32 v2, v0  }
0x89: {  	v4 =	vld [tilespmem:s21+$0xF0]  }
0x8a: {  	v5 =	vld [tilespmem:s21+$0xC0];
	v3 =	vsub.f32 v3, v0;
	v2 =	vmul.f32 v2, v1  }
0x8b: {  	v9 =	vld [tilespmem:s21+$0xD0]  }
0x8c: {  	v8 =	vld [tilespmem:s21+$0x80];
	v3 =	vmul.f32 v3, v1;
	v2 =	vmax.f32 v2, $0.0e+00  }
0x8d: {  	v6 =	vld [tilespmem:s21+$0x90];
	v2 =	vmin.f32 v2, $1.023000000e+03  }
0x8e: {  	v7 =	vld [tilespmem:s21+$0xE0];
	v3 =	vmax.f32 v3, $0.0e+00;
	v2 =	vtrunc.f32 v2  }
0x8f: {  	v3 =	vmin.f32 v3, $1.023000000e+03;
	v2 =	vcvt.f32.s32 v2  }
0x90: {  	s20 =	simm.s32 $0x100;
	v9 =	vsub.f32 v9, v0;
	v3 =	vtrunc.f32 v3  }
0x91: {  	v10 =	vld [tilespmem:s20+$0xA0];
	v8 =	vsub.f32 v8, v0;
	v3 =	vcvt.f32.s32 v3;
	[tilespmem:s21+$0x80B0] =	vst v2  }
0x92: {  	v9 =	vmul.f32 v9, v1;
	v2 =	vsub.f32 v4, v0;
	v4 =	vsub.f32 v6, v0;
	v11 =	vld [tilespmem:s20+$0xB0]  }
0x93: {  	v6 =	vld [tilespmem:s20+$0xF0];
	[tilespmem:s21+$0x80A0] =	vst v3;
	v3 =	vsub.f32 v5, v0;
	v5 =	vsub.f32 v7, v0;
	v7 =	vmul.f32 v8, v1  }
0x94: {  	v9 =	vmax.f32 v9, $0.0e+00;
	v2 =	vmul.f32 v2, v1;
	v4 =	vmul.f32 v4, v1;
	v8 =	vld [tilespmem:s20+$0xC0]  }
0x95: {  	v9 =	vmin.f32 v9, $1.023000000e+03;
	v13 =	vld [tilespmem:s20+$0x90];
	v14 =	vmul.f32 v5, v1;
	v15 =	vmax.f32 v7, $0.0e+00  }
0x96: {  	v5 =	vsub.f32 v10, v0;
	v2 =	vmax.f32 v2, $0.0e+00;
	v12 =	vmax.f32 v4, $0.0e+00  }
0x97: {  	v4 =	vmul.f32 v3, v1;
	v3 =	vmin.f32 v12, $1.023000000e+03;
	v11 =	vsub.f32 v11, v0  }
0x98: {  	v16 =	vld [tilespmem:s20+$0xD0];
	v2 =	vmin.f32 v2, $1.023000000e+03;
	v5 =	vmul.f32 v5, v1;
	v10 =	vsub.f32 v6, v0  }
0x99: {  	v17 =	vld [tilespmem:s20+$0xE0];
	v7 =	vtrunc.f32 v2;
	v2 =	vsub.f32 v8, v0;
	v8 =	vmul.f32 v11, v1  }
0x9a: {  	v6 =	vsub.f32 v13, v0;
	v5 =	vmax.f32 v5, $0.0e+00;
	v18 =	vmul.f32 v10, v1  }
0x9b: {  	v12 =	vmin.f32 v5, $1.023000000e+03;
	v5 =	vmax.f32 v8, $0.0e+00;
	v8 =	vtrunc.f32 v9;
	v9 =	vld [tilespmem:s20+$0x80]  }
0x9c: {  	v11 =	vmax.f32 v14, $0.0e+00;
	v10 =	vmin.f32 v5, $1.023000000e+03;
	v63 =	vcvt.f32.s32 v8  }
0x9d: {  	v14 =	vmin.f32 v15, $1.023000000e+03;
	v5 =	vsub.f32 v16, v0;
	v8 =	vtrunc.f32 v10  }
0x9e: {  	s22 =	simm.s32 $0x800;
	v10 =	vsub.f32 v17, v0;
	v13 =	vcvt.f32.s32 v8;
	v8 =	vmax.f32 v18, $0.0e+00;
	[tilespmem:s21+$0x80D0] =	vst v63  }
.LBB2_16:
0x9f: {  	s23 =	sshra.s32 s22, $0x2;
	p0 =	sne.s32 s22, $0x1FC00;
	s22 =	sadd.s32 $0x400, s22;
	v12 =	vtrunc.f32 v12;
	v4 =	vmax.f32 v4, $0.0e+00;
	v7 =	vcvt.f32.s32 v7  }
0xa0: {  	v9 =	vsub.f32 v9, v0;
	v15 =	vld [tilespmem:s23+$0xA0];
	v12 =	vcvt.f32.s32 v12;
	[tilespmem:s20+$0x80B0] =	vst v13;
	v13 =	vtrunc.f32 v3  }
0xa1: {  	v11 =	vmin.f32 v11, $1.023000000e+03;
	v3 =	vmul.f32 v6, v1;
	v6 =	vtrunc.f32 v14;
	v16 =	vld [tilespmem:s23+$0xF0];
	[tilespmem:s21+$0x80F0] =	vst v7  }
0xa2: {  	v11 =	vtrunc.f32 v11;
	v9 =	vmul.f32 v9, v1;
	v7 =	vld [tilespmem:s23+$0xB0];
	[tilespmem:s20+$0x80A0] =	vst v12;
	v12 =	vmin.f32 v4, $1.023000000e+03  }
0xa3: {  	v17 =	vmul.f32 v10, v1;
	v6 =	vcvt.f32.s32 v6;
	v3 =	vmax.f32 v3, $0.0e+00;
	v14 =	vld [tilespmem:s23+$0xC0]  }
0xa4: {  	v4 =	vmul.f32 v2, v1;
	v18 =	vmax.f32 v9, $0.0e+00;
	v12 =	vtrunc.f32 v12;
	v10 =	vld [tilespmem:s23+$0x90]  }
0xa5: {  	v2 =	vmin.f32 v8, $1.023000000e+03;
	v3 =	vmin.f32 v3, $1.023000000e+03;
	v19 =	vld [tilespmem:s23+$0xE0];
	[tilespmem:s21+$0x8080] =	vst v6;
	v6 =	vcvt.f32.s32 v11  }
0xa6: {  	v13 =	vcvt.f32.s32 v13;
	v8 =	vsub.f32 v15, v0;
	v9 =	vld [tilespmem:s23+$0x80];
	v11 =	vsub.f32 v16, v0  }
0xa7: {  	v5 =	vmul.f32 v5, v1;
	v15 =	vsub.f32 v7, v0;
	v16 =	vld [tilespmem:s23+$0xD0];
	v7 =	vtrunc.f32 v2;
	[tilespmem:s21+$0x80E0] =	vst v6  }
0xa8: {  	v12 =	vcvt.f32.s32 v12;
	v8 =	vmul.f32 v8, v1;
	v2 =	vsub.f32 v14, v0;
	[tilespmem:s21+$0x8090] =	vst v13  }
0xa9: {  	v5 =	vmax.f32 v5, $0.0e+00;
	v6 =	vsub.f32 v10, v0;
	v10 =	vmul.f32 v15, v1  }
.Ltmp8:
0xaa: {  	v5 =	vmin.f32 v5, $1.023000000e+03;
	v14 =	vmul.f32 v11, v1;
	v8 =	vmax.f32 v8, $0.0e+00;
	[tilespmem:s21+$0x80C0] =	vst v12;
	s21 =	smov.u32 s20;
	s20 =	smov.u32 s23;
	(pc) =	sbr.rel @p0 .LBB2_16-.Ltmp8, $4  }
0xab: {  	v12 =	vmin.f32 v8, $1.023000000e+03;
	v8 =	vmax.f32 v10, $0.0e+00;
	v10 =	vtrunc.f32 v5  }
0xac: {  	v8 =	vmin.f32 v8, $1.023000000e+03;
	v5 =	vsub.f32 v16, v0;
	v15 =	vcvt.f32.s32 v10  }
0xad: {  	v11 =	vmax.f32 v17, $0.0e+00;
	v10 =	vsub.f32 v19, v0;
	v8 =	vtrunc.f32 v8  }
0xae: {  	v13 =	vcvt.f32.s32 v8;
	v8 =	vmax.f32 v14, $0.0e+00;
	v14 =	vmin.f32 v18, $1.023000000e+03;
	[tilespmem:s21+$0x80D0] =	vst v15  }
0xaf: {  	v12 =	vtrunc.f32 v12;
	v7 =	vcvt.f32.s32 v7  }
0xb0: {  	v3 =	vtrunc.f32 v3;
	v6 =	vmul.f32 v6, v1  }
0xb1: {  	v9 =	vsub.f32 v9, v0;
	v14 =	vtrunc.f32 v14;
	v10 =	vmul.f32 v10, v1  }
0xb2: {  	v11 =	vmin.f32 v11, $1.023000000e+03;
	v5 =	vmul.f32 v5, v1;
	v2 =	vmul.f32 v2, v1  }
0xb3: {  	v4 =	vmax.f32 v4, $0.0e+00;
	v12 =	vcvt.f32.s32 v12;
	v11 =	vtrunc.f32 v11  }
0xb4: {  	v8 =	vmin.f32 v8, $1.023000000e+03;
	[tilespmem:s20+$0x80B0] =	vst v13;
	v57 =	vcvt.f32.s32 v14;
	v3 =	vcvt.f32.s32 v3  }
0xb5: {  	v4 =	vmin.f32 v4, $1.023000000e+03;
	v8 =	vtrunc.f32 v8;
	v9 =	vmul.f32 v9, v1;
	[tilespmem:s21+$0x80F0] =	vst v7  }
0xb6: {  	v6 =	vmax.f32 v6, $0.0e+00;
	v4 =	vtrunc.f32 v4;
	v59 =	vcvt.f32.s32 v11;
	[tilespmem:s20+$0x80A0] =	vst v12  }
0xb7: {  	v5 =	vmax.f32 v5, $0.0e+00;
	v60 =	vmax.f32 v10, $0.0e+00;
	v61 =	vcvt.f32.s32 v8;
	[tilespmem:s21+$0x8080] =	vst v57  }
0xb8: {  	v2 =	vmax.f32 v2, $0.0e+00;
	v5 =	vmin.f32 v5, $1.023000000e+03;
	v4 =	vcvt.f32.s32 v4;
	[tilespmem:s21+$0x80E0] =	vst v59  }
0xb9: {  	v6 =	vmin.f32 v6, $1.023000000e+03;
	v2 =	vmin.f32 v2, $1.023000000e+03;
	v5 =	vtrunc.f32 v5;
	[tilespmem:s21+$0x8090] =	vst v3  }
0xba: {  	v58 =	vmax.f32 v9, $0.0e+00;
	v6 =	vtrunc.f32 v6;
	v3 =	vcvt.f32.s32 v5;
	[tilespmem:s21+$0x80C0] =	vst v4  }
0xbb: {  	v2 =	vtrunc.f32 v2;
	v7 =	vmin.f32 v58, $1.023000000e+03;
	v63 =	vcvt.f32.s32 v6;
	[tilespmem:s20+$0x80F0] =	vst v61  }
0xbc: {  	v5 =	vmin.f32 v60, $1.023000000e+03;
	v2 =	vcvt.f32.s32 v2;
	v7 =	vtrunc.f32 v7;
	[tilespmem:s20+$0x80D0] =	vst v3  }
0xbd: {  	v3 =	vtrunc.f32 v5;
	v62 =	vcvt.f32.s32 v7;
	[tilespmem:s20+$0x8090] =	vst v63  }
0xbe: {  	[tilespmem:s20+$0x80C0] =	vst v2;
	v3 =	vcvt.f32.s32 v3  }
0xbf: {  	s19 =	sadd.s32 s6, s19;
	s22 =	simm.s32 $0x8180;
	[tilespmem:s20+$0x8080] =	vst v62  }
0xc0: {  	s23 =	sadd.s32 $0x0, s19;
	s21 =	simm.s32 $0x8080;
	[tilespmem:s20+$0x80E0] =	vst v3;
	s20 =	simm.s32 $0x10  }
.LBB2_18:
0xc1: {  	[hbm4b:s23+s3] =	stream.linear.scatter [tilespmem:s21], [sflag:$0x4], $0x80, $0x38;
	[tilespmem:$0x10080] =	vst v63  }
0xc2: {  	s23 =	smov.u32 s20;
	s21 =	smov.u32 s22;
	p0 =	sne.s32 s20, $0x7F0  }
.Ltmp9:
0xc3: {  	s20 =	sadd.s32 $0x10, s20;
	(pc) =	sbr.rel @p0 .LBB2_18-.Ltmp9, $2  }
0xc4: {  	_ =	sdelay $0x2  }
0xc5: {  	s22 =	sadd.s32 $0x100, s22;
	s23 =	sadd.s32 s23, s19  }
0xc6: {  	s18 =	sadd.s32 $0x1, s18  }
0xc7: {  	p0 =	sne.s32 s18, $0x20  }
.Ltmp10:
0xc8: {  	_ = 	snop;
	(pc) =	sbr.rel @p0 .LBB2_3-.Ltmp10, $2  }
0xc9: {  	_ =	sdelay $0x2  }
0xca: {  	[hbm4b:s23+s3] =	stream.linear.scatter [tilespmem:s21], [sflag:$0x4], $0x80, $0x38;
	[tilespmem:$0x10080] =	vst v63  }
0xcb: {  	s17 =	sadd.s32 $0x1, s17  }
0xcc: {  	_ =	swait.ge [sflag:s16], $0x4000;
	p0 =	sne.s32 s17, s10  }
.Ltmp11:
0xcd: {  	[sflag:s16] =	ssyncset.done $0x0;
	(pc) =	sbr.rel @p0 .LBB2_1-.Ltmp11, $4  }
0xce: {  	[sflag:s16] =	ssyncadd.s32 $0xFFFFC000  }
0xcf: {  	_ =	swait.ge [sflag:s15], $0x4000  }
0xd0: {  	[sflag:s15] =	ssyncset.done $0x0  }
0xd1: {  	[sflag:s15] =	ssyncadd.s32 $0xFFFFC000  }
0xd2: {  	_ =	sfence.sel $0x180000  }
0xd3: {  	[bflag:$0x0] =	sbarrier.arrive $0xFFFF  }
0xd4: {  	p0 =	sne.s32 s2, $0x0;
	_ =	strace $0x9000004A  }
0xd5: {  	s0 =	sadd.s32 @!p0 $0x100000, s0;
	[bflag:$0x2] =	sbarrier.arrive $0xFFFF  }
0xd6: {  	[sflag:s0] =	ssyncadd.tile.s32 @!p0 $0x1;
	_ =	shalt  }
.Lfunc_end2:
_tile_overlayer_lowered:
.L_overlay_start_2:
0xd7: {  	(tag) =	ssettag $0x2  }
0xd8: {  	s0 =	rddreg [dreg:$0x0];
	s2 =	stileid.u32  }
0xd9: {  	s1 =	rddreg [dreg:$0x1];
	p0 =	sne.s32 s2, $0x0  }
0xda: {  	s3 =	rddreg [dreg:$0x2];
	[bflag:$0x3] =	sbarrier.arrive $0xFFFF;
	s2 =	simm.s32 @!p0 $0x1C05  }
0xdb: {  	[timem:s3], [sflag:s2] =	dma.local @!p0 [hbm:s0], s1  }
0xdc: {  	s0 =	simm.s32 @!p0 $0x5  }
0xdd: {  	_ =	swait.ge @!p0 [sflag:s0], s1  }
0xde: {  	s1 =	ssub.s32 @!p0 $0x0, s1;
	[sflag:s0] =	ssyncset.done @!p0 $0x0  }
0xdf: {  	[sflag:s0] =	ssyncadd.s32 @!p0 s1  }
0xe0: {  	[bflag:$0x3] =	sbarrier.arrive $0xFFFF  }
0xe1: {  	_ =	shalt  }

// kernel: sparse-core-data-format-call.cloned.1.call-start
scs
called_computation_lowered:
.L_overlay_start_0:
0x0: {  	s2 =	sld [smem:$0x3FD9]  }
0x1: {  	s3 =	sld [smem:$0x3FFE];
	_ =	sdelay $0x1  }
0x2: {  	s1 =	srdreg.scid  }
0x3: {  	s0 =	sand.u32 $0x1, s1  }
0x4: {  	s19 =	sshll.u32 s0, $0xA;
	s2 =	sadd.s32 s3, s2  }
0x5: {  	s2 =	sadd.s32 s2, s19  }
0x6: {  	[smem:$0x3FC5] =	sst s2  }
0x7: {  	_ = 	snop  }
0x8: {  	s2 =	sld [smem:$0x3FC9]  }
0x9: {  	s20 =	sld [smem:$0x3FD0];
	(tm) =	ssettm $0x1  }
0xa: {  	s4 =	sld [smem:$0x3FFB];
	_ =	sdelay $0x3  }
0xb: {  	_ =	strace s4  }
0xc: {  	s4 =	sld [smem:$0x3FFC];
	_ =	sdelay $0x3  }
0xd: {  	_ =	strace s4  }
0xe: {  	s4 =	sld [smem:$0x3FFD];
	_ =	sdelay $0x3  }
0xf: {  	_ =	strace s4  }
0x10: {  	_ =	strace $0x8FFFFFFF  }
0x11: {  	s21 =	sld [smem:$0x3FDB];
	_ =	sdelay $0x1  }
0x12: {  	s5 =	simm.s32 $_scs_section_size  }
0x13: {  	s6 =	simm.s32 $_size__tile_overlayer_lowered;
	s7 =	simm.s32 $_tile_overlayer_lowered  }
0x14: {  	s24 =	simm.s32 $0x1BFF;
	s23 =	sshll.u32 s7, $0x1;
	s4 =	sadd.s32 s5, s21  }
0x15: {  	s8 =	simm.s32 $0x0;
	s22 =	sshll.u32 s6, $0x1;
	s6 =	sadd.s32 s23, s4  }
0x16: {  	[timem:s8], [sflag:s24] =	dma.local [hbm:s6], s22  }
0x17: {  	_ =	swait.ge [sflag:s24], s22  }
0x18: {  	s5 =	ssub.s32 $0x0, s22;
	[sflag:s24] =	ssyncset.done $0x0  }
0x19: {  	[sflag:s24] =	ssyncadd.s32 s5;
	_ =	sdelay $0x1  }
0x1a: {  	s25 =	simm.s32 $0x1B8B  }
0x1b: {  	_ =	swait.ge [sflag:s25], $0x1  }
0x1c: {  	[sflag:s25] =	ssyncset.done $0x0  }
0x1d: {  	s26 =	simm.s32 $0x1B8E;
	[sflag:s25] =	ssyncadd.s32 $0xFFFFFFFF  }
0x1e: {  	s27 =	simm.s32 $execute0_lowered;
	[smem:$0x3FD2] =	sst s26  }
0x1f: {  	s5 =	sshll.u32 s27, $0x1;
	_ =	strace $0x80000046;
	[dreg:$0x1] =	wrdreg $0xFFFFFFFF  }
0x20: {  	s28 =	simm.s32 $_size_execute0_lowered;
	s4 =	sadd.s32 s4, s5;
	[dreg:$0x0] =	wrdreg $0x0  }
0x21: {  	s5 =	sshll.u32 s28, $0x1;
	[dreg:$0x2] =	wrdreg s4  }
0x22: {  	[dreg:$0x3] =	wrdreg s5  }
0x23: {  	[dreg:$0x4] =	wrdreg $0xC0  }
0x24: {  	_ =	task [dreg:s8], $0x5FFFF  }
0x25: {  	[dreg:$0x1] =	wrdreg $0xFFFFFFFF  }
0x26: {  	[dreg:$0x0] =	wrdreg $0x60  }
0x27: {  	[dreg:$0x2] =	wrdreg s2  }
0x28: {  	[dreg:$0x3] =	wrdreg s20  }
0x29: {  	[dreg:$0x4] =	wrdreg $0x9  }
0x2a: {  	_ =	task.clear_ibuf [dreg:s8], $0x5FFFF;
	_ =	strace $0x90000046  }
0x2b: {  	s29 =	simm.s32 $0x9;
	_ =	strace $0x80000048  }
0x2c: {  	_ =	swait.ge [sflag:s29], $0x1  }
0x2d: {  	[sflag:s29] =	ssyncadd.s32 $0xFFFFFFFF  }
0x2e: {  	_ =	strace $0x90000048  }
0x2f: {  	_ =	sfence  }
0x30: {  	s30 =	sld [smem:$0x0];
	_ =	sdelay $0x2  }
0x31: {  	s31 =	sshll.u32 s1, $0xD;
	s1 =	sshrl.u32 s1, $0x2  }
0x32: {  	s3 =	sand.u32 $0x4000, s31;
	s1 =	sadd.s32 s1, s30  }
0x33: {  	s0 =	sor.u32 s3, s0;
	s1 =	sshll.u32 s1, $0x11  }
0x34: {  	s0 =	sor.u32 s1, s0  }
0x35: {  	s0 =	sadd.s32 $0x8F2B, s0  }
0x36: {  	[sflag:s0] =	ssyncadd.remote.s32 $0x1  }
0x37: {  	_ =	sfence.sel $0xFFFF  }
0x38: {  	[dreg:$0x0] =	wrdreg $0xFFFFFFFF;
	(pc) =	sbr.abs _section_cstart, $3  }
0x39: {  	[dreg:$0x1] =	wrdreg $0xFFFFFFFF  }
0x3a: {  	_ =	task.clear_ibuf [dreg:s8], $0x2FFFF;
	_ =	strace $0x9FFFFFFF  }
0x3b: {  	(tm) =	ssettm $0x7FFFFFFF  }
tec
execute0_lowered:
.L_overlay_start_1:
0x0: {  	(tag) =	ssettag $0x1  }
0x1: {  	s2 =	rddreg [dreg:$0x0]  }
0x2: {  	s3 =	rddreg [dreg:$0x1]  }
0x3: {  	s0 =	rddreg [dreg:$0x2];
	_ =	strace $0x80000047  }
0x4: {  	s4 =	srdreg.scid;
	s1 =	stileid.u32;
	s6 =	simm.s32 $0x2  }
.Ltmp0:
0x5: {  	s11 =	simm.s32 $0x0;
	p0 =	por $0x0, $0x0;
	(pc) =	sbr.rel .LBB1_1-.Ltmp0, $4  }
0x6: {  	s7 =	simm.s32 $0x2000;
	s12 =	simm.s32 $0x0;
	s5 =	sshll.u32 s4, $0x4  }
0x7: {  	s9 =	simm.s32 $0x0;
	s4 =	simm.s32 $0x1;
	s5 =	sand.u32 $0x10, s5  }
0x8: {  	s8 =	simm.s32 $0x0;
	[sflag:s4] =	ssyncpa.u1 $0x0;
	s5 =	sor.u32 s1, s5  }
0x9: {  	[sflag:s6] =	ssyncpa.u1 $0x0;
	s6 =	simm.s32 $0x800;
	s10 =	smov.u32 s5  }
.LBB1_7:
0xa: {  	s13 =	sadd.s32 $0x10, s9  }
0xb: {  	s11 =	sadd.s32 $0x20, s10;
	s15 =	smov.u32 s10;
	p2 =	sgt.s32 s13, $0x3F  }
0xc: {  	p1 =	slt.u32 s8, $0x2;
	s15 =	smov.u32 @p2 s11  }
0xd: {  	s8 =	sadd.s32 $0x1, s8;
	s13 =	simm.s32 @p2 $0x0;
	p2 =	sgt.s32 s15, $0x1FF  }
0xe: {  	s15 =	smov.u32 @p2 s5;
	p2 =	sne.s32 s8, $0x42  }
.Ltmp1:
0xf: {  	_ = 	snop;
	(pc) =	sbr.rel @!p2 .LBB1_8-.Ltmp1, $4  }
0x10: {  	s14 =	simm.s32 @!p1 $0x2  }
0x11: {  	s12 =	smov.u32 s10;
	_ =	swait.ge @!p1 [sflag:s14], $0x4000  }
0x12: {  	p0 =	por !p0, !p0;
	s11 =	smov.u32 s9;
	[sflag:s14] =	ssyncset.done @!p1 $0x0  }
0x13: {  	s9 =	smov.u32 s13;
	[sflag:s14] =	ssyncadd.s32 @!p1 $0xFFFFC000;
	s10 =	smov.u32 s15  }
.LBB1_1:
0x14: {  	p1 =	sgt.u32 s8, $0x3F  }
0x15: {  	s13 =	sxor.u32 @!p1 $0xFFFFFFFF, s8;
	s14 =	sshll.u32 @!p1 s10, $0xD  }
0x16: {  	s15 =	sshll.u32 @!p1 s9, $0x7;
	s13 =	sshll.u32 @!p1 s13, $0xE;
	s14 =	sadd.s32 @!p1 s2, s14  }
0x17: {  	s13 =	sand.u32 @!p1 $0x4000, s13;
	s14 =	sadd.s32 @!p1 s15, s14;
	s15 =	simm.s32 @!p1 $0x0  }
0x18: {  	[tilespmem:s13], [sflag:$0x1] =	stream.linear.gather @!p1 [hbm4b:s14+s15], $0x4000, $0x38;
	[tilespmem:$0x10000] =	vst v63  }
0x19: {  	p1 =	seq.s32 s8, $0x0  }
0x1a: {  	p2 =	seq.s32 @!p1 s8, $0x41  }
0x1b: {  	p1 =	por p1, p2  }
.Ltmp2:
0x1c: {  	_ = 	snop;
	(pc) =	sbr.rel @p1 .LBB1_7-.Ltmp2, $1  }
0x1d: {  	_ =	sdelay $0x3  }
0x1e: {  	s13 =	simm.s32 $0x1;
	_ =	swait.ge [sflag:s4], $0x4000;
	s16 =	sshll.u32 s8, $0xE  }
0x1f: {  	s13 =	simm.s32 @!p0 $0x0;
	[sflag:s4] =	ssyncset.done $0x0;
	s31 =	sand.u32 $0x4000, s16  }
0x20: {  	s16 =	simm.s32 $0x0;
	s14 =	sshll.u32 s13, $0xE;
	[sflag:s4] =	ssyncadd.s32 $0xFFFFC000  }
0x21: {  	s13 =	sor.u32 $0x8040, s14;
	s15 =	sor.u32 $0x40, s14;
	s14 =	sor.u32 $0x8000, s31  }
.LBB1_3:
0x22: {  	v0 =	vmov s15;
	_ =	sdelay $0x3  }
0x23: {  	s18 =	simm.s32 $0x0  }
0x24: {  	v6 =	vld.idx.msk [tilespmem:v0+s18+$0x30 ss:$0x1], $0xffff  }
0x25: {  	v7 =	vld.idx.msk [tilespmem:v0+s18+$0xFFFFFFC0 ss:$0x1], $0xffff  }
0x26: {  	v5 =	vld.idx.msk [tilespmem:v0+s18+$0xFFFFFFD0 ss:$0x1], $0xffff  }
0x27: {  	v4 =	vld.idx.msk [tilespmem:v0+s18+$0xFFFFFFE0 ss:$0x1], $0xffff  }
0x28: {  	v3 =	vld.idx.msk [tilespmem:v0+s18+$0xFFFFFFF0 ss:$0x1], $0xffff  }
0x29: {  	v1 =	vld.idx.msk [tilespmem:v0+s18+$0x0 ss:$0x1], $0xffff  }
0x2a: {  	v2 =	vld.idx.msk [tilespmem:v0+s18+$0x10 ss:$0x1], $0xffff;
	[tilespmem:s13+$0x30] =	vst v6  }
0x2b: {  	s17 =	simm.s32 $0x80;
	s19 =	simm.s32 $0x400;
	[tilespmem:s13+$0xFFFFFFC0] =	vst v7;
	v6 =	vld.idx.msk [tilespmem:v0+s18+$0x20 ss:$0x1], $0xffff;
	s18 =	smov.u32 s13  }
.LBB1_4:
0x2c: {  	p1 =	sne.s32 s19, $0xE00;
	v7 =	vld.idx.msk [tilespmem:v0+s17+$0x30 ss:$0x1], $0xffff;
	[tilespmem:s18+$0xFFFFFFD0] =	vst v5  }
0x2d: {  	v8 =	vld.idx.msk [tilespmem:v0+s17+$0xFFFFFFC0 ss:$0x1], $0xffff;
	[tilespmem:s18+$0xFFFFFFE0] =	vst v4  }
0x2e: {  	v5 =	vld.idx.msk [tilespmem:v0+s17+$0xFFFFFFD0 ss:$0x1], $0xffff;
	[tilespmem:s18+$0xFFFFFFF0] =	vst v3  }
.Ltmp3:
0x2f: {  	v4 =	vld.idx.msk [tilespmem:v0+s17+$0xFFFFFFE0 ss:$0x1], $0xffff;
	[tilespmem:s18+$0x0] =	vst v1;
	(pc) =	sbr.rel @p1 .LBB1_4-.Ltmp3, $4  }
0x30: {  	v3 =	vld.idx.msk [tilespmem:v0+s17+$0xFFFFFFF0 ss:$0x1], $0xffff;
	[tilespmem:s18+$0x10] =	vst v2  }
0x31: {  	v1 =	vld.idx.msk [tilespmem:v0+s17+$0x0 ss:$0x1], $0xffff;
	[tilespmem:s18+$0x20] =	vst v6;
	s18 =	sadd.s32 $0x800, s18  }
0x32: {  	v2 =	vld.idx.msk [tilespmem:v0+s17+$0x10 ss:$0x1], $0xffff;
	[tilespmem:s18+$0x30] =	vst v7  }
0x33: {  	[tilespmem:s18+$0xFFFFFFC0] =	vst v8;
	v6 =	vld.idx.msk [tilespmem:v0+s17+$0x20 ss:$0x1], $0xffff;
	s17 =	sshra.s32 s19, $0x2;
	s19 =	sadd.s32 $0x200, s19  }
0x34: {  	_ =	sdelay $0x2  }
0x35: {  	[tilespmem:s18+$0xFFFFFFD0] =	vst v5  }
0x36: {  	v56 =	vld.idx.msk [tilespmem:v0+s17+$0x30 ss:$0x1], $0xffff;
	[tilespmem:s18+$0xFFFFFFE0] =	vst v4  }
0x37: {  	v57 =	vld.idx.msk [tilespmem:v0+s17+$0xFFFFFFC0 ss:$0x1], $0xffff;
	[tilespmem:s18+$0xFFFFFFF0] =	vst v3  }
0x38: {  	v58 =	vld.idx.msk [tilespmem:v0+s17+$0xFFFFFFD0 ss:$0x1], $0xffff;
	[tilespmem:s18+$0x0] =	vst v1  }
0x39: {  	v59 =	vld.idx.msk [tilespmem:v0+s17+$0xFFFFFFE0 ss:$0x1], $0xffff;
	[tilespmem:s18+$0x10] =	vst v2  }
0x3a: {  	v60 =	vld.idx.msk [tilespmem:v0+s17+$0xFFFFFFF0 ss:$0x1], $0xffff;
	s31 =	sadd.s32 $0x800, s18;
	[tilespmem:s18+$0x20] =	vst v6  }
0x3b: {  	v61 =	vld.idx.msk [tilespmem:v0+s17+$0x0 ss:$0x1], $0xffff;
	[tilespmem:s31+$0x30] =	vst v56  }
0x3c: {  	v62 =	vld.idx.msk [tilespmem:v0+s17+$0x10 ss:$0x1], $0xffff;
	s16 =	sadd.s32 $0x1, s16;
	[tilespmem:s31+$0xFFFFFFC0] =	vst v57  }
0x3d: {  	v63 =	vld.idx.msk [tilespmem:v0+s17+$0x20 ss:$0x1], $0xffff;
	p1 =	sne.s32 s16, $0x10;
	[tilespmem:s31+$0xFFFFFFD0] =	vst v58  }
.Ltmp4:
0x3e: {  	[tilespmem:s31+$0xFFFFFFE0] =	vst v59;
	(pc) =	sbr.rel @p1 .LBB1_3-.Ltmp4, $4  }
0x3f: {  	[tilespmem:s31+$0xFFFFFFF0] =	vst v60  }
0x40: {  	[tilespmem:s31+$0x0] =	vst v61  }
0x41: {  	[tilespmem:s31+$0x10] =	vst v62  }
0x42: {  	s13 =	sadd.s32 $0x80, s13;
	s15 =	sadd.s32 $0x400, s15;
	[tilespmem:s31+$0x20] =	vst v63  }
.Ltmp5:
0x43: {  	(pc) =	sbr.rel .LBB1_7-.Ltmp5, $4  }
0x44: {  	s12 =	sshll.u32 s12, $0xD;
	s11 =	sshll.u32 s11, $0x4  }
0x45: {  	s11 =	sand.u32 $0x3F0, s11;
	s12 =	sadd.s32 s3, s12  }
0x46: {  	s11 =	sadd.s32 s11, s12  }
0x47: {  	[hbm4b:s11+s6] =	stream.strided.scatter [tilespmem:s14], [sflag:$0x2], $0x4000, s7, s6, $0x38;
	[tilespmem:$0x10000] =	vst v63  }
.LBB1_8:
0x48: {  	_ =	sfence.sel $0x180000  }
0x49: {  	s2 =	simm.s32 $0x1;
	[bflag:$0x0] =	sbarrier.arrive $0xFFFF  }
0x4a: {  	s31 =	simm.s32 $0x2;
	[sflag:s2] =	ssyncpa.u1 $0x1  }
0x4b: {  	[sflag:s31] =	ssyncpa.u1 $0x1  }
0x4c: {  	p0 =	sne.s32 s1, $0x0;
	_ =	strace $0x90000047  }
0x4d: {  	s0 =	sadd.s32 @!p0 $0x100000, s0;
	[bflag:$0x2] =	sbarrier.arrive $0xFFFF  }
0x4e: {  	[sflag:s0] =	ssyncadd.tile.s32 @!p0 $0x1;
	_ =	shalt  }
.Lfunc_end1:
_tile_overlayer_lowered:
.L_overlay_start_2:
0x4f: {  	(tag) =	ssettag $0x2  }
0x50: {  	s0 =	rddreg [dreg:$0x0];
	s2 =	stileid.u32  }
0x51: {  	s1 =	rddreg [dreg:$0x1];
	p0 =	sne.s32 s2, $0x0  }
0x52: {  	s3 =	rddreg [dreg:$0x2];
	[bflag:$0x3] =	sbarrier.arrive $0xFFFF;
	s2 =	simm.s32 @!p0 $0x1C01  }
0x53: {  	[timem:s3], [sflag:s2] =	dma.local @!p0 [hbm:s0], s1  }
0x54: {  	s0 =	simm.s32 @!p0 $0x1  }
0x55: {  	_ =	swait.ge @!p0 [sflag:s0], s1  }
0x56: {  	s1 =	ssub.s32 @!p0 $0x0, s1;
	[sflag:s0] =	ssyncset.done @!p0 $0x0  }
0x57: {  	[sflag:s0] =	ssyncadd.s32 @!p0 s1  }
0x58: {  	[bflag:$0x3] =	sbarrier.arrive $0xFFFF  }
0x59: {  	_ =	shalt  }

</sc_bundles>
